<compile_context>
chip_gen: v7x
topology: tpu7x:2x2x1
jax: 0.10.2.dev20260603
libtpu: 0.0.44.dev20260713+nightly
codegen_flags: <defaults>
</compile_context>

<pallas_src>
import functools

import jax
import jax.numpy as jnp
from jax import lax
from jax.experimental import pallas as pl
from jax.experimental.pallas import tpu as pltpu
from jax.experimental.pallas import tpu_sc as plsc

VOCAB = 100000
EMBED_DIM = 128
BATCH = 4096
SEQ_LEN = 200

B = BATCH * SEQ_LEN
NC, NS = 2, 16
NW = NC * NS
CHUNK = 128
N_CHUNK_TOT = B // CHUNK
SUP = 2
BIG = SUP * CHUNK

EXTRA = 8
NCH0 = N_CHUNK_TOT // NW + EXTRA
NCH1 = N_CHUNK_TOT // NW - EXTRA
STAGE = NCH0

_mesh = plsc.VectorSubcoreMesh(core_axis_name="c", subcore_axis_name="s")


@functools.partial(
    pl.kernel,
    mesh=_mesh,
    out_type=jax.ShapeDtypeStruct((B, EMBED_DIM), jnp.float32),
    scratch_types=[
        pltpu.VMEM((STAGE, CHUNK), jnp.int32),
        pltpu.VMEM((2, BIG, EMBED_DIM), jnp.float32),
        pltpu.SemaphoreType.DMA,
        pltpu.SemaphoreType.DMA,
        pltpu.SemaphoreType.DMA,
        pltpu.SemaphoreType.DMA,
    ],
)
def _gather_kernel(idx_hbm, table_hbm, out_hbm, idx_v, rows_v, g0, g1, w0, w1):
    cid = lax.axis_index("c")
    sid = lax.axis_index("s")
    row0 = jnp.where(cid == 0, sid * NCH0, NS * NCH0 + sid * NCH1)
    n_chunk = jnp.where(cid == 0, NCH0, NCH1)
    n_sup = n_chunk // SUP
    base = row0 * CHUNK
    start0 = jnp.minimum(row0, N_CHUNK_TOT - STAGE)
    off = row0 - start0
    gsem = [g0, g1]
    wsem = [w0, w1]

    pltpu.sync_copy(idx_hbm.at[pl.ds(start0, STAGE)], idx_v)

    def gstart(s, buf):
        for q in range(SUP):
            pltpu.async_copy(
                table_hbm.at[idx_v.at[off + s * SUP + q]],
                rows_v.at[buf, pl.ds(q * CHUNK, CHUNK)],
                gsem[buf],
            )

    def gwait(s, buf):
        for q in range(SUP):
            pltpu.make_async_copy(
                table_hbm.at[idx_v.at[off + s * SUP + q]],
                rows_v.at[buf, pl.ds(q * CHUNK, CHUNK)],
                gsem[buf],
            ).wait()

    def wstart(s, buf):
        pltpu.async_copy(
            rows_v.at[buf], out_hbm.at[pl.ds(base + s * BIG, BIG)], wsem[buf]
        )

    def wwait(s, buf):
        pltpu.make_async_copy(
            rows_v.at[buf], out_hbm.at[pl.ds(base + s * BIG, BIG)], wsem[buf]
        ).wait()

    gstart(0, 0)

    def body(g, carry):
        for b in range(2):
            s = 2 * g + b

            @pl.when(s > 0)
            def _(s=s, b=b):
                wwait(s - 1, 1 - b)

            @pl.when(s + 1 < n_sup)
            def _(s=s, b=b):
                gstart(s + 1, 1 - b)

            gwait(s, b)
            wstart(s, b)

        return carry

    lax.fori_loop(0, n_sup // 2, body, 0)

    wwait(n_sup - 1, 1)


def kernel(np_batch, table):
    idx = np_batch.astype(jnp.int32).reshape(B // CHUNK, CHUNK)
    out = _gather_kernel(idx, table)
    return out.reshape(BATCH, SEQ_LEN, EMBED_DIM)

# --- scband reference (transcript-rebuilt; emitter-appended) ---
"""Pipeline reference for scband-word-embedding-layer-87651692576793 (READ-ONLY COPY).

The authoritative reference and input builder live on the scoring server;
editing this copy changes nothing except your own understanding.
"""

import jax, jax.numpy as jnp
import numpy as np

VOCAB = 100000
EMBED_DIM = 128
BATCH = 4096
SEQ_LEN = 200

def setup_inputs(seed: int = 0) -> dict:
    key = jax.random.key(seed)
    k_idx, k_tab = jax.random.split(key)
    np_batch = jax.random.randint(k_idx, (BATCH, SEQ_LEN), 0, VOCAB, dtype=jnp.int64 if jax.config.jax_enable_x64 else jnp.int32)
    table = jax.random.normal(k_tab, (VOCAB, EMBED_DIM), dtype=jnp.float32)
    return {"np_batch": np_batch, "table": table}

def reference(np_batch, table):
    # WordEmbeddingLayer.forward: emb_batch = self.embeddings(batch)
    emb_batch = jnp.take(table, np_batch, axis=0)
    return emb_batch

if __name__ == "__main__":
    import jax
    _d = setup_inputs()
    print(jax.jit(kernel)(*tuple(_d.values())))

</pallas_src>

<mosaic_0001>
#map = affine_map<(d0, d1) -> (0, 0)>
module attributes {stable_mosaic.version = 14 : i64} {
  func.func @_gather_kernel(%arg0: i32, %arg1: i32, %arg2: memref<6400x128xi32, #tpu.memory_space<hbm>>, %arg3: memref<100000x128xf32, #tpu.memory_space<hbm>>, %arg4: memref<819200x128xf32, #tpu.memory_space<hbm>>, %arg5: memref<208x128xi32, #tpu.memory_space<vmem>>, %arg6: memref<2x256x128xf32, #tpu.memory_space<vmem>>, %arg7: memref<!tpu.dma_semaphore, #tpu.memory_space<semaphore_mem>>, %arg8: memref<!tpu.dma_semaphore, #tpu.memory_space<semaphore_mem>>, %arg9: memref<!tpu.dma_semaphore, #tpu.memory_space<semaphore_mem>>, %arg10: memref<!tpu.dma_semaphore, #tpu.memory_space<semaphore_mem>>) attributes {dimension_semantics = [#tpu.dimension_semantics<core_parallel>, #tpu.dimension_semantics<subcore_parallel>], iteration_bounds = array<i64: 2, 16>, scalar_prefetch = 0 : i64, scratch_operands = 6 : i64, tpu.core_type = #tpu.core_type<sc_vector_subcore>, window_params = [{transform_indices = #map}, {transform_indices = #map}, {transform_indices = #map}]} {
    %eq3A = arith.constant 0 : i32
    %eq3A_0 = arith.cmpi eq, %arg0, %eq3A : i32
    %mul3A = arith.constant 208 : i32
    %mul3A_1 = arith.muli %arg1, %mul3A : i32
    %mul3A_2 = arith.constant 192 : i32
    %mul3A_3 = arith.muli %arg1, %mul3A_2 : i32
    %add3A = arith.constant 3328 : i32
    %add3A_4 = arith.addi %add3A, %mul3A_3 : i32
    %select_n3A = arith.select %eq3A_0, %mul3A_1, %add3A_4 : i32
    %eq3A_5 = arith.constant 0 : i32
    %eq3A_6 = arith.cmpi eq, %arg0, %eq3A_5 : i32
    %jit3A = arith.constant 208 : i32
    %jit3A_7 = arith.constant 192 : i32
    %select_n3A_8 = arith.select %eq3A_6, %jit3A, %jit3A_7 : i32
    %jit3A_9 = arith.constant 2 : i32
    %div3A = arith.divsi %select_n3A_8, %jit3A_9 : i32
    %sign3A = arith.constant 0 : i32
    %sign3A_10 = arith.cmpi sgt, %select_n3A_8, %sign3A : i32
    %sign3A_11 = arith.extui %sign3A_10 : i1 to i32
    %sign3A_12 = arith.constant 0 : i32
    %sign3A_13 = arith.cmpi slt, %select_n3A_8, %sign3A_12 : i32
    %sign3A_14 = arith.extui %sign3A_13 : i1 to i32
    %sign3A_15 = arith.subi %sign3A_11, %sign3A_14 : i32
    %sign3A_16 = arith.constant 0 : i32
    %sign3A_17 = arith.cmpi sgt, %jit3A_9, %sign3A_16 : i32
    %sign3A_18 = arith.extui %sign3A_17 : i1 to i32
    %sign3A_19 = arith.constant 0 : i32
    %sign3A_20 = arith.cmpi slt, %jit3A_9, %sign3A_19 : i32
    %sign3A_21 = arith.extui %sign3A_20 : i1 to i32
    %sign3A_22 = arith.subi %sign3A_18, %sign3A_21 : i32
    %ne3A = arith.cmpi ne, %sign3A_15, %sign3A_22 : i32
    %rem3A = arith.remsi %select_n3A_8, %jit3A_9 : i32
    %ne3A_23 = arith.constant 0 : i32
    %ne3A_24 = arith.cmpi ne, %rem3A, %ne3A_23 : i32
    %and3A = arith.andi %ne3A, %ne3A_24 : i1
    %sub3A = arith.constant 1 : i32
    %sub3A_25 = arith.subi %div3A, %sub3A : i32
    %select_n3A_26 = arith.select %and3A, %sub3A_25, %div3A : i32
    %mul3A_27 = arith.constant 128 : i32
    %mul3A_28 = arith.muli %select_n3A, %mul3A_27 : i32
    %min3A = arith.constant 6192 : i32
    %min3A_29 = arith.minsi %select_n3A, %min3A : i32
    %sub3A_30 = arith.subi %select_n3A, %min3A_29 : i32
    "tpu.region"() ({
      %run_scoped3A = tpu.sem_alloc : memref<!tpu.dma_semaphore, #tpu.memory_space<semaphore_mem>>
      %dma_start3A_110 = arith.constant 0 : i32
      %dma_start3A_111 = tpu.memref_slice %arg2[%min3A_29, %dma_start3A_110] : memref<6400x128xi32, #tpu.memory_space<hbm>> -> memref<208x128xi32, #tpu.memory_space<hbm>>
      %dma_start3A_112 = arith.constant 0 : i32
      %dma_start3A_113 = tpu.memref_slice %arg2[%min3A_29, %dma_start3A_112] : memref<6400x128xi32, #tpu.memory_space<hbm>> -> memref<208x128xi32, #tpu.memory_space<hbm>>
      tpu.enqueue_dma source(%dma_start3A_113 : memref<208x128xi32, #tpu.memory_space<hbm>>) target(%arg5 : memref<208x128xi32, #tpu.memory_space<vmem>>) target_semaphore(%run_scoped3A : memref<!tpu.dma_semaphore, #tpu.memory_space<semaphore_mem>>)
      %dma_wait3A_114 = arith.constant 0 : i32
      %dma_wait3A_115 = tpu.memref_slice %arg2[%min3A_29, %dma_wait3A_114] : memref<6400x128xi32, #tpu.memory_space<hbm>> -> memref<208x128xi32, #tpu.memory_space<hbm>>
      %dma_wait3A_116 = arith.constant 0 : i32
      %dma_wait3A_117 = tpu.memref_slice %arg2[%min3A_29, %dma_wait3A_116] : memref<6400x128xi32, #tpu.memory_space<hbm>> -> memref<208x128xi32, #tpu.memory_space<hbm>>
      tpu.wait_dma2 semaphore(%run_scoped3A : memref<!tpu.dma_semaphore, #tpu.memory_space<semaphore_mem>>) src(%dma_wait3A_117 : memref<208x128xi32, #tpu.memory_space<hbm>>) dst(%arg5 : memref<208x128xi32, #tpu.memory_space<vmem>>)
      tpu.yield
    }) : () -> ()
    %add3A_31 = arith.constant 0 : i32
    %add3A_32 = arith.addi %sub3A_30, %add3A_31 : i32
    %add3A_33 = arith.constant 0 : i32
    %add3A_34 = arith.addi %add3A_32, %add3A_33 : i32
    %dma_start3A = arith.constant 0 : i32
    %dma_start3A_35 = arith.constant 0 : i32
    %dma_start3A_36 = arith.constant 0 : i32
    %dma_start3A_37 = tpu.memref_slice %arg6[%dma_start3A, %dma_start3A_35, %dma_start3A_36] : memref<2x256x128xf32, #tpu.memory_space<vmem>> -> memref<1x128x128xf32, #tpu.memory_space<vmem>>
    %dma_start3A_38 = tpu.memref_squeeze %dma_start3A_37 : memref<1x128x128xf32, #tpu.memory_space<vmem>> -> memref<128x128xf32, #tpu.memory_space<vmem>>
    %dma_start3A_39 = arith.constant 0 : i32
    %dma_start3A_40 = tpu.memref_slice %arg5[%add3A_34, %dma_start3A_39] : memref<208x128xi32, #tpu.memory_space<vmem>> -> memref<1x128xi32, #tpu.memory_space<vmem>>
    %dma_start3A_41 = tpu.memref_squeeze %dma_start3A_40 : memref<1x128xi32, #tpu.memory_space<vmem>> -> memref<128xi32, #tpu.memory_space<vmem>>
    %dma_start3A_42 = arith.constant 0 : i32
    %dma_start3A_43 = arith.constant 0 : i32
    %dma_start3A_44 = tpu.memref_slice %arg3[%dma_start3A_42, %dma_start3A_43] : memref<100000x128xf32, #tpu.memory_space<hbm>> -> memref<100000x128xf32, #tpu.memory_space<hbm>>
    tpu.enqueue_indirect_dma source(%dma_start3A_44 : memref<100000x128xf32, #tpu.memory_space<hbm>>) target(%dma_start3A_38 : memref<128x128xf32, #tpu.memory_space<vmem>>) offsets(%dma_start3A_41 : memref<128xi32, #tpu.memory_space<vmem>>) semaphore(%arg7 : memref<!tpu.dma_semaphore, #tpu.memory_space<semaphore_mem>>)
    %add3A_45 = arith.constant 0 : i32
    %add3A_46 = arith.addi %sub3A_30, %add3A_45 : i32
    %add3A_47 = arith.constant 1 : i32
    %add3A_48 = arith.addi %add3A_46, %add3A_47 : i32
    %dma_start3A_49 = arith.constant 0 : i32
    %dma_start3A_50 = arith.constant 128 : i32
    %dma_start3A_51 = arith.constant 0 : i32
    %dma_start3A_52 = tpu.memref_slice %arg6[%dma_start3A_49, %dma_start3A_50, %dma_start3A_51] : memref<2x256x128xf32, #tpu.memory_space<vmem>> -> memref<1x128x128xf32, #tpu.memory_space<vmem>>
    %dma_start3A_53 = tpu.memref_squeeze %dma_start3A_52 : memref<1x128x128xf32, #tpu.memory_space<vmem>> -> memref<128x128xf32, #tpu.memory_space<vmem>>
    %dma_start3A_54 = arith.constant 0 : i32
    %dma_start3A_55 = tpu.memref_slice %arg5[%add3A_48, %dma_start3A_54] : memref<208x128xi32, #tpu.memory_space<vmem>> -> memref<1x128xi32, #tpu.memory_space<vmem>>
    %dma_start3A_56 = tpu.memref_squeeze %dma_start3A_55 : memref<1x128xi32, #tpu.memory_space<vmem>> -> memref<128xi32, #tpu.memory_space<vmem>>
    %dma_start3A_57 = arith.constant 0 : i32
    %dma_start3A_58 = arith.constant 0 : i32
    %dma_start3A_59 = tpu.memref_slice %arg3[%dma_start3A_57, %dma_start3A_58] : memref<100000x128xf32, #tpu.memory_space<hbm>> -> memref<100000x128xf32, #tpu.memory_space<hbm>>
    tpu.enqueue_indirect_dma source(%dma_start3A_59 : memref<100000x128xf32, #tpu.memory_space<hbm>>) target(%dma_start3A_53 : memref<128x128xf32, #tpu.memory_space<vmem>>) offsets(%dma_start3A_56 : memref<128xi32, #tpu.memory_space<vmem>>) semaphore(%arg7 : memref<!tpu.dma_semaphore, #tpu.memory_space<semaphore_mem>>)
    %jit3A_60 = arith.constant 2 : i32
    %div3A_61 = arith.divsi %select_n3A_26, %jit3A_60 : i32
    %sign3A_62 = arith.constant 0 : i32
    %sign3A_63 = arith.cmpi sgt, %select_n3A_26, %sign3A_62 : i32
    %sign3A_64 = arith.extui %sign3A_63 : i1 to i32
    %sign3A_65 = arith.constant 0 : i32
    %sign3A_66 = arith.cmpi slt, %select_n3A_26, %sign3A_65 : i32
    %sign3A_67 = arith.extui %sign3A_66 : i1 to i32
    %sign3A_68 = arith.subi %sign3A_64, %sign3A_67 : i32
    %sign3A_69 = arith.constant 0 : i32
    %sign3A_70 = arith.cmpi sgt, %jit3A_60, %sign3A_69 : i32
    %sign3A_71 = arith.extui %sign3A_70 : i1 to i32
    %sign3A_72 = arith.constant 0 : i32
    %sign3A_73 = arith.cmpi slt, %jit3A_60, %sign3A_72 : i32
    %sign3A_74 = arith.extui %sign3A_73 : i1 to i32
    %sign3A_75 = arith.subi %sign3A_71, %sign3A_74 : i32
    %ne3A_76 = arith.cmpi ne, %sign3A_68, %sign3A_75 : i32
    %rem3A_77 = arith.remsi %select_n3A_26, %jit3A_60 : i32
    %ne3A_78 = arith.constant 0 : i32
    %ne3A_79 = arith.cmpi ne, %rem3A_77, %ne3A_78 : i32
    %and3A_80 = arith.andi %ne3A_76, %ne3A_79 : i1
    %sub3A_81 = arith.constant 1 : i32
    %sub3A_82 = arith.subi %div3A_61, %sub3A_81 : i32
    %select_n3A_83 = arith.select %and3A_80, %sub3A_82, %div3A_61 : i32
    %while3A = arith.constant 0 : i32
    %while3A_84 = arith.constant 0 : i32
    %while3A_85 = arith.subi %select_n3A_83, %while3A_84 : i32
    %while3A_86 = arith.addi %while3A_84, %while3A_85 : i32
    %while3A_87 = arith.constant 1 : i32
    %while3A_88 = arith.divsi %while3A_85, %while3A_87 : i32
    %while3A_89 = arith.muli %while3A_88, %while3A_87 : i32
    %while3A_90 = arith.addi %while3A_84, %while3A_89 : i32
    %while3A_91 = arith.constant 1 : i32
    scf.for %while3A_110 = %while3A_84 to %while3A_90 step %while3A_91  : i32 {
      %mul3A_111 = arith.constant 2 : i32
      %mul3A_112 = arith.muli %mul3A_111, %while3A_110 : i32
      %add3A_113 = arith.constant 0 : i32
      %add3A_114 = arith.addi %mul3A_112, %add3A_113 : i32
      %gt3A = arith.constant 0 : i32
      %gt3A_115 = arith.cmpi sgt, %add3A_114, %gt3A : i32
      %convert_element_type3A = arith.extui %gt3A_115 : i1 to i32
      %cond3A = arith.constant 0 : i32
      %cond3A_116 = arith.cmpi ne, %convert_element_type3A, %cond3A : i32
      scf.if %cond3A_116 {
        %sub3A_233 = arith.constant 1 : i32
        %sub3A_234 = arith.subi %add3A_114, %sub3A_233 : i32
        %mul3A_235 = arith.constant 256 : i32
        %mul3A_236 = arith.muli %sub3A_234, %mul3A_235 : i32
        %add3A_237 = arith.addi %mul3A_28, %mul3A_236 : i32
        %dma_wait3A_238 = arith.constant 1 : i32
        %dma_wait3A_239 = arith.constant 0 : i32
        %dma_wait3A_240 = arith.constant 0 : i32
        %dma_wait3A_241 = tpu.memref_slice %arg6[%dma_wait3A_238, %dma_wait3A_239, %dma_wait3A_240] : memref<2x256x128xf32, #tpu.memory_space<vmem>> -> memref<1x256x128xf32, #tpu.memory_space<vmem>>
        %dma_wait3A_242 = tpu.memref_squeeze %dma_wait3A_241 : memref<1x256x128xf32, #tpu.memory_space<vmem>> -> memref<256x128xf32, #tpu.memory_space<vmem>>
        %dma_wait3A_243 = arith.constant 0 : i32
        %dma_wait3A_244 = tpu.memref_slice %arg4[%add3A_237, %dma_wait3A_243] : memref<819200x128xf32, #tpu.memory_space<hbm>> -> memref<256x128xf32, #tpu.memory_space<hbm>>
        %dma_wait3A_245 = arith.constant 0 : i32
        %dma_wait3A_246 = tpu.memref_slice %arg4[%add3A_237, %dma_wait3A_245] : memref<819200x128xf32, #tpu.memory_space<hbm>> -> memref<256x128xf32, #tpu.memory_space<hbm>>
        %dma_wait3A_247 = arith.constant 0 : i32
        %dma_wait3A_248 = arith.constant 0 : i32
        %dma_wait3A_249 = tpu.memref_slice %arg6[%dma_wait3A_238, %dma_wait3A_247, %dma_wait3A_248] : memref<2x256x128xf32, #tpu.memory_space<vmem>> -> memref<1x256x128xf32, #tpu.memory_space<vmem>>
        %dma_wait3A_250 = tpu.memref_squeeze %dma_wait3A_249 : memref<1x256x128xf32, #tpu.memory_space<vmem>> -> memref<256x128xf32, #tpu.memory_space<vmem>>
        tpu.wait_dma2 semaphore(%arg10 : memref<!tpu.dma_semaphore, #tpu.memory_space<semaphore_mem>>) src(%dma_wait3A_250 : memref<256x128xf32, #tpu.memory_space<vmem>>) dst(%dma_wait3A_246 : memref<256x128xf32, #tpu.memory_space<hbm>>)
      } else {
      }
      %add3A_117 = arith.constant 1 : i32
      %add3A_118 = arith.addi %add3A_114, %add3A_117 : i32
      %lt3A = arith.cmpi slt, %add3A_118, %select_n3A_26 : i32
      %convert_element_type3A_119 = arith.extui %lt3A : i1 to i32
      %cond3A_120 = arith.constant 0 : i32
      %cond3A_121 = arith.cmpi ne, %convert_element_type3A_119, %cond3A_120 : i32
      scf.if %cond3A_121 {
        %add3A_233 = arith.constant 1 : i32
        %add3A_234 = arith.addi %add3A_114, %add3A_233 : i32
        %mul3A_235 = arith.constant 2 : i32
        %mul3A_236 = arith.muli %add3A_234, %mul3A_235 : i32
        %add3A_237 = arith.addi %sub3A_30, %mul3A_236 : i32
        %add3A_238 = arith.constant 0 : i32
        %add3A_239 = arith.addi %add3A_237, %add3A_238 : i32
        %dma_start3A_240 = arith.constant 1 : i32
        %dma_start3A_241 = arith.constant 0 : i32
        %dma_start3A_242 = arith.constant 0 : i32
        %dma_start3A_243 = tpu.memref_slice %arg6[%dma_start3A_240, %dma_start3A_241, %dma_start3A_242] : memref<2x256x128xf32, #tpu.memory_space<vmem>> -> memref<1x128x128xf32, #tpu.memory_space<vmem>>
        %dma_start3A_244 = tpu.memref_squeeze %dma_start3A_243 : memref<1x128x128xf32, #tpu.memory_space<vmem>> -> memref<128x128xf32, #tpu.memory_space<vmem>>
        %dma_start3A_245 = arith.constant 0 : i32
        %dma_start3A_246 = tpu.memref_slice %arg5[%add3A_239, %dma_start3A_245] : memref<208x128xi32, #tpu.memory_space<vmem>> -> memref<1x128xi32, #tpu.memory_space<vmem>>
        %dma_start3A_247 = tpu.memref_squeeze %dma_start3A_246 : memref<1x128xi32, #tpu.memory_space<vmem>> -> memref<128xi32, #tpu.memory_space<vmem>>
        %dma_start3A_248 = arith.constant 0 : i32
        %dma_start3A_249 = arith.constant 0 : i32
        %dma_start3A_250 = tpu.memref_slice %arg3[%dma_start3A_248, %dma_start3A_249] : memref<100000x128xf32, #tpu.memory_space<hbm>> -> memref<100000x128xf32, #tpu.memory_space<hbm>>
        tpu.enqueue_indirect_dma source(%dma_start3A_250 : memref<100000x128xf32, #tpu.memory_space<hbm>>) target(%dma_start3A_244 : memref<128x128xf32, #tpu.memory_space<vmem>>) offsets(%dma_start3A_247 : memref<128xi32, #tpu.memory_space<vmem>>) semaphore(%arg8 : memref<!tpu.dma_semaphore, #tpu.memory_space<semaphore_mem>>)
        %mul3A_251 = arith.constant 2 : i32
        %mul3A_252 = arith.muli %add3A_234, %mul3A_251 : i32
        %add3A_253 = arith.addi %sub3A_30, %mul3A_252 : i32
        %add3A_254 = arith.constant 1 : i32
        %add3A_255 = arith.addi %add3A_253, %add3A_254 : i32
        %dma_start3A_256 = arith.constant 1 : i32
        %dma_start3A_257 = arith.constant 128 : i32
        %dma_start3A_258 = arith.constant 0 : i32
        %dma_start3A_259 = tpu.memref_slice %arg6[%dma_start3A_256, %dma_start3A_257, %dma_start3A_258] : memref<2x256x128xf32, #tpu.memory_space<vmem>> -> memref<1x128x128xf32, #tpu.memory_space<vmem>>
        %dma_start3A_260 = tpu.memref_squeeze %dma_start3A_259 : memref<1x128x128xf32, #tpu.memory_space<vmem>> -> memref<128x128xf32, #tpu.memory_space<vmem>>
        %dma_start3A_261 = arith.constant 0 : i32
        %dma_start3A_262 = tpu.memref_slice %arg5[%add3A_255, %dma_start3A_261] : memref<208x128xi32, #tpu.memory_space<vmem>> -> memref<1x128xi32, #tpu.memory_space<vmem>>
        %dma_start3A_263 = tpu.memref_squeeze %dma_start3A_262 : memref<1x128xi32, #tpu.memory_space<vmem>> -> memref<128xi32, #tpu.memory_space<vmem>>
        %dma_start3A_264 = arith.constant 0 : i32
        %dma_start3A_265 = arith.constant 0 : i32
        %dma_start3A_266 = tpu.memref_slice %arg3[%dma_start3A_264, %dma_start3A_265] : memref<100000x128xf32, #tpu.memory_space<hbm>> -> memref<100000x128xf32, #tpu.memory_space<hbm>>
        tpu.enqueue_indirect_dma source(%dma_start3A_266 : memref<100000x128xf32, #tpu.memory_space<hbm>>) target(%dma_start3A_260 : memref<128x128xf32, #tpu.memory_space<vmem>>) offsets(%dma_start3A_263 : memref<128xi32, #tpu.memory_space<vmem>>) semaphore(%arg8 : memref<!tpu.dma_semaphore, #tpu.memory_space<semaphore_mem>>)
      } else {
      }
      %mul3A_122 = arith.constant 2 : i32
      %mul3A_123 = arith.muli %add3A_114, %mul3A_122 : i32
      %add3A_124 = arith.addi %sub3A_30, %mul3A_123 : i32
      %add3A_125 = arith.constant 0 : i32
      %add3A_126 = arith.addi %add3A_124, %add3A_125 : i32
      %dma_wait3A_127 = arith.constant 0 : i32
      %dma_wait3A_128 = arith.constant 0 : i32
      %dma_wait3A_129 = arith.constant 0 : i32
      %dma_wait3A_130 = tpu.memref_slice %arg6[%dma_wait3A_127, %dma_wait3A_128, %dma_wait3A_129] : memref<2x256x128xf32, #tpu.memory_space<vmem>> -> memref<1x128x128xf32, #tpu.memory_space<vmem>>
      %dma_wait3A_131 = tpu.memref_squeeze %dma_wait3A_130 : memref<1x128x128xf32, #tpu.memory_space<vmem>> -> memref<128x128xf32, #tpu.memory_space<vmem>>
      %dma_wait3A_132 = arith.constant 0 : i32
      %dma_wait3A_133 = tpu.memref_slice %arg5[%add3A_126, %dma_wait3A_132] : memref<208x128xi32, #tpu.memory_space<vmem>> -> memref<1x128xi32, #tpu.memory_space<vmem>>
      %dma_wait3A_134 = tpu.memref_squeeze %dma_wait3A_133 : memref<1x128xi32, #tpu.memory_space<vmem>> -> memref<128xi32, #tpu.memory_space<vmem>>
      %dma_wait3A_135 = arith.constant 0 : i32
      %dma_wait3A_136 = arith.constant 0 : i32
      %dma_wait3A_137 = tpu.memref_slice %arg3[%dma_wait3A_135, %dma_wait3A_136] : memref<100000x128xf32, #tpu.memory_space<hbm>> -> memref<100000x128xf32, #tpu.memory_space<hbm>>
      tpu.wait_indirect_dma semaphore(%arg7 : memref<!tpu.dma_semaphore, #tpu.memory_space<semaphore_mem>>) src(%dma_wait3A_137 : memref<100000x128xf32, #tpu.memory_space<hbm>>) dst(%dma_wait3A_131 : memref<128x128xf32, #tpu.memory_space<vmem>>)
      %mul3A_138 = arith.constant 2 : i32
      %mul3A_139 = arith.muli %add3A_114, %mul3A_138 : i32
      %add3A_140 = arith.addi %sub3A_30, %mul3A_139 : i32
      %add3A_141 = arith.constant 1 : i32
      %add3A_142 = arith.addi %add3A_140, %add3A_141 : i32
      %dma_wait3A_143 = arith.constant 0 : i32
      %dma_wait3A_144 = arith.constant 128 : i32
      %dma_wait3A_145 = arith.constant 0 : i32
      %dma_wait3A_146 = tpu.memref_slice %arg6[%dma_wait3A_143, %dma_wait3A_144, %dma_wait3A_145] : memref<2x256x128xf32, #tpu.memory_space<vmem>> -> memref<1x128x128xf32, #tpu.memory_space<vmem>>
      %dma_wait3A_147 = tpu.memref_squeeze %dma_wait3A_146 : memref<1x128x128xf32, #tpu.memory_space<vmem>> -> memref<128x128xf32, #tpu.memory_space<vmem>>
      %dma_wait3A_148 = arith.constant 0 : i32
      %dma_wait3A_149 = tpu.memref_slice %arg5[%add3A_142, %dma_wait3A_148] : memref<208x128xi32, #tpu.memory_space<vmem>> -> memref<1x128xi32, #tpu.memory_space<vmem>>
      %dma_wait3A_150 = tpu.memref_squeeze %dma_wait3A_149 : memref<1x128xi32, #tpu.memory_space<vmem>> -> memref<128xi32, #tpu.memory_space<vmem>>
      %dma_wait3A_151 = arith.constant 0 : i32
      %dma_wait3A_152 = arith.constant 0 : i32
      %dma_wait3A_153 = tpu.memref_slice %arg3[%dma_wait3A_151, %dma_wait3A_152] : memref<100000x128xf32, #tpu.memory_space<hbm>> -> memref<100000x128xf32, #tpu.memory_space<hbm>>
      tpu.wait_indirect_dma semaphore(%arg7 : memref<!tpu.dma_semaphore, #tpu.memory_space<semaphore_mem>>) src(%dma_wait3A_153 : memref<100000x128xf32, #tpu.memory_space<hbm>>) dst(%dma_wait3A_147 : memref<128x128xf32, #tpu.memory_space<vmem>>)
      %mul3A_154 = arith.constant 256 : i32
      %mul3A_155 = arith.muli %add3A_114, %mul3A_154 : i32
      %add3A_156 = arith.addi %mul3A_28, %mul3A_155 : i32
      %dma_start3A_157 = arith.constant 0 : i32
      %dma_start3A_158 = arith.constant 0 : i32
      %dma_start3A_159 = arith.constant 0 : i32
      %dma_start3A_160 = tpu.memref_slice %arg6[%dma_start3A_157, %dma_start3A_158, %dma_start3A_159] : memref<2x256x128xf32, #tpu.memory_space<vmem>> -> memref<1x256x128xf32, #tpu.memory_space<vmem>>
      %dma_start3A_161 = tpu.memref_squeeze %dma_start3A_160 : memref<1x256x128xf32, #tpu.memory_space<vmem>> -> memref<256x128xf32, #tpu.memory_space<vmem>>
      %dma_start3A_162 = arith.constant 0 : i32
      %dma_start3A_163 = tpu.memref_slice %arg4[%add3A_156, %dma_start3A_162] : memref<819200x128xf32, #tpu.memory_space<hbm>> -> memref<256x128xf32, #tpu.memory_space<hbm>>
      %dma_start3A_164 = arith.constant 0 : i32
      %dma_start3A_165 = tpu.memref_slice %arg4[%add3A_156, %dma_start3A_164] : memref<819200x128xf32, #tpu.memory_space<hbm>> -> memref<256x128xf32, #tpu.memory_space<hbm>>
      %dma_start3A_166 = arith.constant 0 : i32
      %dma_start3A_167 = arith.constant 0 : i32
      %dma_start3A_168 = tpu.memref_slice %arg6[%dma_start3A_157, %dma_start3A_166, %dma_start3A_167] : memref<2x256x128xf32, #tpu.memory_space<vmem>> -> memref<1x256x128xf32, #tpu.memory_space<vmem>>
      %dma_start3A_169 = tpu.memref_squeeze %dma_start3A_168 : memref<1x256x128xf32, #tpu.memory_space<vmem>> -> memref<256x128xf32, #tpu.memory_space<vmem>>
      tpu.enqueue_dma source(%dma_start3A_169 : memref<256x128xf32, #tpu.memory_space<vmem>>) target(%dma_start3A_165 : memref<256x128xf32, #tpu.memory_space<hbm>>) target_semaphore(%arg9 : memref<!tpu.dma_semaphore, #tpu.memory_space<semaphore_mem>>)
      %mul3A_170 = arith.constant 2 : i32
      %mul3A_171 = arith.muli %mul3A_170, %while3A_110 : i32
      %add3A_172 = arith.constant 1 : i32
      %add3A_173 = arith.addi %mul3A_171, %add3A_172 : i32
      %gt3A_174 = arith.constant 0 : i32
      %gt3A_175 = arith.cmpi sgt, %add3A_173, %gt3A_174 : i32
      %convert_element_type3A_176 = arith.extui %gt3A_175 : i1 to i32
      %cond3A_177 = arith.constant 0 : i32
      %cond3A_178 = arith.cmpi ne, %convert_element_type3A_176, %cond3A_177 : i32
      scf.if %cond3A_178 {
        %sub3A_233 = arith.constant 1 : i32
        %sub3A_234 = arith.subi %add3A_173, %sub3A_233 : i32
        %mul3A_235 = arith.constant 256 : i32
        %mul3A_236 = arith.muli %sub3A_234, %mul3A_235 : i32
        %add3A_237 = arith.addi %mul3A_28, %mul3A_236 : i32
        %dma_wait3A_238 = arith.constant 0 : i32
        %dma_wait3A_239 = arith.constant 0 : i32
        %dma_wait3A_240 = arith.constant 0 : i32
        %dma_wait3A_241 = tpu.memref_slice %arg6[%dma_wait3A_238, %dma_wait3A_239, %dma_wait3A_240] : memref<2x256x128xf32, #tpu.memory_space<vmem>> -> memref<1x256x128xf32, #tpu.memory_space<vmem>>
        %dma_wait3A_242 = tpu.memref_squeeze %dma_wait3A_241 : memref<1x256x128xf32, #tpu.memory_space<vmem>> -> memref<256x128xf32, #tpu.memory_space<vmem>>
        %dma_wait3A_243 = arith.constant 0 : i32
        %dma_wait3A_244 = tpu.memref_slice %arg4[%add3A_237, %dma_wait3A_243] : memref<819200x128xf32, #tpu.memory_space<hbm>> -> memref<256x128xf32, #tpu.memory_space<hbm>>
        %dma_wait3A_245 = arith.constant 0 : i32
        %dma_wait3A_246 = tpu.memref_slice %arg4[%add3A_237, %dma_wait3A_245] : memref<819200x128xf32, #tpu.memory_space<hbm>> -> memref<256x128xf32, #tpu.memory_space<hbm>>
        %dma_wait3A_247 = arith.constant 0 : i32
        %dma_wait3A_248 = arith.constant 0 : i32
        %dma_wait3A_249 = tpu.memref_slice %arg6[%dma_wait3A_238, %dma_wait3A_247, %dma_wait3A_248] : memref<2x256x128xf32, #tpu.memory_space<vmem>> -> memref<1x256x128xf32, #tpu.memory_space<vmem>>
        %dma_wait3A_250 = tpu.memref_squeeze %dma_wait3A_249 : memref<1x256x128xf32, #tpu.memory_space<vmem>> -> memref<256x128xf32, #tpu.memory_space<vmem>>
        tpu.wait_dma2 semaphore(%arg9 : memref<!tpu.dma_semaphore, #tpu.memory_space<semaphore_mem>>) src(%dma_wait3A_250 : memref<256x128xf32, #tpu.memory_space<vmem>>) dst(%dma_wait3A_246 : memref<256x128xf32, #tpu.memory_space<hbm>>)
      } else {
      }
      %add3A_179 = arith.constant 1 : i32
      %add3A_180 = arith.addi %add3A_173, %add3A_179 : i32
      %lt3A_181 = arith.cmpi slt, %add3A_180, %select_n3A_26 : i32
      %convert_element_type3A_182 = arith.extui %lt3A_181 : i1 to i32
      %cond3A_183 = arith.constant 0 : i32
      %cond3A_184 = arith.cmpi ne, %convert_element_type3A_182, %cond3A_183 : i32
      scf.if %cond3A_184 {
        %add3A_233 = arith.constant 1 : i32
        %add3A_234 = arith.addi %add3A_173, %add3A_233 : i32
        %mul3A_235 = arith.constant 2 : i32
        %mul3A_236 = arith.muli %add3A_234, %mul3A_235 : i32
        %add3A_237 = arith.addi %sub3A_30, %mul3A_236 : i32
        %add3A_238 = arith.constant 0 : i32
        %add3A_239 = arith.addi %add3A_237, %add3A_238 : i32
        %dma_start3A_240 = arith.constant 0 : i32
        %dma_start3A_241 = arith.constant 0 : i32
        %dma_start3A_242 = arith.constant 0 : i32
        %dma_start3A_243 = tpu.memref_slice %arg6[%dma_start3A_240, %dma_start3A_241, %dma_start3A_242] : memref<2x256x128xf32, #tpu.memory_space<vmem>> -> memref<1x128x128xf32, #tpu.memory_space<vmem>>
        %dma_start3A_244 = tpu.memref_squeeze %dma_start3A_243 : memref<1x128x128xf32, #tpu.memory_space<vmem>> -> memref<128x128xf32, #tpu.memory_space<vmem>>
        %dma_start3A_245 = arith.constant 0 : i32
        %dma_start3A_246 = tpu.memref_slice %arg5[%add3A_239, %dma_start3A_245] : memref<208x128xi32, #tpu.memory_space<vmem>> -> memref<1x128xi32, #tpu.memory_space<vmem>>
        %dma_start3A_247 = tpu.memref_squeeze %dma_start3A_246 : memref<1x128xi32, #tpu.memory_space<vmem>> -> memref<128xi32, #tpu.memory_space<vmem>>
        %dma_start3A_248 = arith.constant 0 : i32
        %dma_start3A_249 = arith.constant 0 : i32
        %dma_start3A_250 = tpu.memref_slice %arg3[%dma_start3A_248, %dma_start3A_249] : memref<100000x128xf32, #tpu.memory_space<hbm>> -> memref<100000x128xf32, #tpu.memory_space<hbm>>
        tpu.enqueue_indirect_dma source(%dma_start3A_250 : memref<100000x128xf32, #tpu.memory_space<hbm>>) target(%dma_start3A_244 : memref<128x128xf32, #tpu.memory_space<vmem>>) offsets(%dma_start3A_247 : memref<128xi32, #tpu.memory_space<vmem>>) semaphore(%arg7 : memref<!tpu.dma_semaphore, #tpu.memory_space<semaphore_mem>>)
        %mul3A_251 = arith.constant 2 : i32
        %mul3A_252 = arith.muli %add3A_234, %mul3A_251 : i32
        %add3A_253 = arith.addi %sub3A_30, %mul3A_252 : i32
        %add3A_254 = arith.constant 1 : i32
        %add3A_255 = arith.addi %add3A_253, %add3A_254 : i32
        %dma_start3A_256 = arith.constant 0 : i32
        %dma_start3A_257 = arith.constant 128 : i32
        %dma_start3A_258 = arith.constant 0 : i32
        %dma_start3A_259 = tpu.memref_slice %arg6[%dma_start3A_256, %dma_start3A_257, %dma_start3A_258] : memref<2x256x128xf32, #tpu.memory_space<vmem>> -> memref<1x128x128xf32, #tpu.memory_space<vmem>>
        %dma_start3A_260 = tpu.memref_squeeze %dma_start3A_259 : memref<1x128x128xf32, #tpu.memory_space<vmem>> -> memref<128x128xf32, #tpu.memory_space<vmem>>
        %dma_start3A_261 = arith.constant 0 : i32
        %dma_start3A_262 = tpu.memref_slice %arg5[%add3A_255, %dma_start3A_261] : memref<208x128xi32, #tpu.memory_space<vmem>> -> memref<1x128xi32, #tpu.memory_space<vmem>>
        %dma_start3A_263 = tpu.memref_squeeze %dma_start3A_262 : memref<1x128xi32, #tpu.memory_space<vmem>> -> memref<128xi32, #tpu.memory_space<vmem>>
        %dma_start3A_264 = arith.constant 0 : i32
        %dma_start3A_265 = arith.constant 0 : i32
        %dma_start3A_266 = tpu.memref_slice %arg3[%dma_start3A_264, %dma_start3A_265] : memref<100000x128xf32, #tpu.memory_space<hbm>> -> memref<100000x128xf32, #tpu.memory_space<hbm>>
        tpu.enqueue_indirect_dma source(%dma_start3A_266 : memref<100000x128xf32, #tpu.memory_space<hbm>>) target(%dma_start3A_260 : memref<128x128xf32, #tpu.memory_space<vmem>>) offsets(%dma_start3A_263 : memref<128xi32, #tpu.memory_space<vmem>>) semaphore(%arg7 : memref<!tpu.dma_semaphore, #tpu.memory_space<semaphore_mem>>)
      } else {
      }
      %mul3A_185 = arith.constant 2 : i32
      %mul3A_186 = arith.muli %add3A_173, %mul3A_185 : i32
      %add3A_187 = arith.addi %sub3A_30, %mul3A_186 : i32
      %add3A_188 = arith.constant 0 : i32
      %add3A_189 = arith.addi %add3A_187, %add3A_188 : i32
      %dma_wait3A_190 = arith.constant 1 : i32
      %dma_wait3A_191 = arith.constant 0 : i32
      %dma_wait3A_192 = arith.constant 0 : i32
      %dma_wait3A_193 = tpu.memref_slice %arg6[%dma_wait3A_190, %dma_wait3A_191, %dma_wait3A_192] : memref<2x256x128xf32, #tpu.memory_space<vmem>> -> memref<1x128x128xf32, #tpu.memory_space<vmem>>
      %dma_wait3A_194 = tpu.memref_squeeze %dma_wait3A_193 : memref<1x128x128xf32, #tpu.memory_space<vmem>> -> memref<128x128xf32, #tpu.memory_space<vmem>>
      %dma_wait3A_195 = arith.constant 0 : i32
      %dma_wait3A_196 = tpu.memref_slice %arg5[%add3A_189, %dma_wait3A_195] : memref<208x128xi32, #tpu.memory_space<vmem>> -> memref<1x128xi32, #tpu.memory_space<vmem>>
      %dma_wait3A_197 = tpu.memref_squeeze %dma_wait3A_196 : memref<1x128xi32, #tpu.memory_space<vmem>> -> memref<128xi32, #tpu.memory_space<vmem>>
      %dma_wait3A_198 = arith.constant 0 : i32
      %dma_wait3A_199 = arith.constant 0 : i32
      %dma_wait3A_200 = tpu.memref_slice %arg3[%dma_wait3A_198, %dma_wait3A_199] : memref<100000x128xf32, #tpu.memory_space<hbm>> -> memref<100000x128xf32, #tpu.memory_space<hbm>>
      tpu.wait_indirect_dma semaphore(%arg8 : memref<!tpu.dma_semaphore, #tpu.memory_space<semaphore_mem>>) src(%dma_wait3A_200 : memref<100000x128xf32, #tpu.memory_space<hbm>>) dst(%dma_wait3A_194 : memref<128x128xf32, #tpu.memory_space<vmem>>)
      %mul3A_201 = arith.constant 2 : i32
      %mul3A_202 = arith.muli %add3A_173, %mul3A_201 : i32
      %add3A_203 = arith.addi %sub3A_30, %mul3A_202 : i32
      %add3A_204 = arith.constant 1 : i32
      %add3A_205 = arith.addi %add3A_203, %add3A_204 : i32
      %dma_wait3A_206 = arith.constant 1 : i32
      %dma_wait3A_207 = arith.constant 128 : i32
      %dma_wait3A_208 = arith.constant 0 : i32
      %dma_wait3A_209 = tpu.memref_slice %arg6[%dma_wait3A_206, %dma_wait3A_207, %dma_wait3A_208] : memref<2x256x128xf32, #tpu.memory_space<vmem>> -> memref<1x128x128xf32, #tpu.memory_space<vmem>>
      %dma_wait3A_210 = tpu.memref_squeeze %dma_wait3A_209 : memref<1x128x128xf32, #tpu.memory_space<vmem>> -> memref<128x128xf32, #tpu.memory_space<vmem>>
      %dma_wait3A_211 = arith.constant 0 : i32
      %dma_wait3A_212 = tpu.memref_slice %arg5[%add3A_205, %dma_wait3A_211] : memref<208x128xi32, #tpu.memory_space<vmem>> -> memref<1x128xi32, #tpu.memory_space<vmem>>
      %dma_wait3A_213 = tpu.memref_squeeze %dma_wait3A_212 : memref<1x128xi32, #tpu.memory_space<vmem>> -> memref<128xi32, #tpu.memory_space<vmem>>
      %dma_wait3A_214 = arith.constant 0 : i32
      %dma_wait3A_215 = arith.constant 0 : i32
      %dma_wait3A_216 = tpu.memref_slice %arg3[%dma_wait3A_214, %dma_wait3A_215] : memref<100000x128xf32, #tpu.memory_space<hbm>> -> memref<100000x128xf32, #tpu.memory_space<hbm>>
      tpu.wait_indirect_dma semaphore(%arg8 : memref<!tpu.dma_semaphore, #tpu.memory_space<semaphore_mem>>) src(%dma_wait3A_216 : memref<100000x128xf32, #tpu.memory_space<hbm>>) dst(%dma_wait3A_210 : memref<128x128xf32, #tpu.memory_space<vmem>>)
      %mul3A_217 = arith.constant 256 : i32
      %mul3A_218 = arith.muli %add3A_173, %mul3A_217 : i32
      %add3A_219 = arith.addi %mul3A_28, %mul3A_218 : i32
      %dma_start3A_220 = arith.constant 1 : i32
      %dma_start3A_221 = arith.constant 0 : i32
      %dma_start3A_222 = arith.constant 0 : i32
      %dma_start3A_223 = tpu.memref_slice %arg6[%dma_start3A_220, %dma_start3A_221, %dma_start3A_222] : memref<2x256x128xf32, #tpu.memory_space<vmem>> -> memref<1x256x128xf32, #tpu.memory_space<vmem>>
      %dma_start3A_224 = tpu.memref_squeeze %dma_start3A_223 : memref<1x256x128xf32, #tpu.memory_space<vmem>> -> memref<256x128xf32, #tpu.memory_space<vmem>>
      %dma_start3A_225 = arith.constant 0 : i32
      %dma_start3A_226 = tpu.memref_slice %arg4[%add3A_219, %dma_start3A_225] : memref<819200x128xf32, #tpu.memory_space<hbm>> -> memref<256x128xf32, #tpu.memory_space<hbm>>
      %dma_start3A_227 = arith.constant 0 : i32
      %dma_start3A_228 = tpu.memref_slice %arg4[%add3A_219, %dma_start3A_227] : memref<819200x128xf32, #tpu.memory_space<hbm>> -> memref<256x128xf32, #tpu.memory_space<hbm>>
      %dma_start3A_229 = arith.constant 0 : i32
      %dma_start3A_230 = arith.constant 0 : i32
      %dma_start3A_231 = tpu.memref_slice %arg6[%dma_start3A_220, %dma_start3A_229, %dma_start3A_230] : memref<2x256x128xf32, #tpu.memory_space<vmem>> -> memref<1x256x128xf32, #tpu.memory_space<vmem>>
      %dma_start3A_232 = tpu.memref_squeeze %dma_start3A_231 : memref<1x256x128xf32, #tpu.memory_space<vmem>> -> memref<256x128xf32, #tpu.memory_space<vmem>>
      tpu.enqueue_dma source(%dma_start3A_232 : memref<256x128xf32, #tpu.memory_space<vmem>>) target(%dma_start3A_228 : memref<256x128xf32, #tpu.memory_space<hbm>>) target_semaphore(%arg10 : memref<!tpu.dma_semaphore, #tpu.memory_space<semaphore_mem>>)
    }
    %while3A_92 = arith.constant 1 : i32
    scf.for %while3A_110 = %while3A_90 to %while3A_86 step %while3A_92  : i32 {
      %mul3A_111 = arith.constant 2 : i32
      %mul3A_112 = arith.muli %mul3A_111, %while3A_110 : i32
      %add3A_113 = arith.constant 0 : i32
      %add3A_114 = arith.addi %mul3A_112, %add3A_113 : i32
      %gt3A = arith.constant 0 : i32
      %gt3A_115 = arith.cmpi sgt, %add3A_114, %gt3A : i32
      %convert_element_type3A = arith.extui %gt3A_115 : i1 to i32
      %cond3A = arith.constant 0 : i32
      %cond3A_116 = arith.cmpi ne, %convert_element_type3A, %cond3A : i32
      scf.if %cond3A_116 {
        %sub3A_233 = arith.constant 1 : i32
        %sub3A_234 = arith.subi %add3A_114, %sub3A_233 : i32
        %mul3A_235 = arith.constant 256 : i32
        %mul3A_236 = arith.muli %sub3A_234, %mul3A_235 : i32
        %add3A_237 = arith.addi %mul3A_28, %mul3A_236 : i32
        %dma_wait3A_238 = arith.constant 1 : i32
        %dma_wait3A_239 = arith.constant 0 : i32
        %dma_wait3A_240 = arith.constant 0 : i32
        %dma_wait3A_241 = tpu.memref_slice %arg6[%dma_wait3A_238, %dma_wait3A_239, %dma_wait3A_240] : memref<2x256x128xf32, #tpu.memory_space<vmem>> -> memref<1x256x128xf32, #tpu.memory_space<vmem>>
        %dma_wait3A_242 = tpu.memref_squeeze %dma_wait3A_241 : memref<1x256x128xf32, #tpu.memory_space<vmem>> -> memref<256x128xf32, #tpu.memory_space<vmem>>
        %dma_wait3A_243 = arith.constant 0 : i32
        %dma_wait3A_244 = tpu.memref_slice %arg4[%add3A_237, %dma_wait3A_243] : memref<819200x128xf32, #tpu.memory_space<hbm>> -> memref<256x128xf32, #tpu.memory_space<hbm>>
        %dma_wait3A_245 = arith.constant 0 : i32
        %dma_wait3A_246 = tpu.memref_slice %arg4[%add3A_237, %dma_wait3A_245] : memref<819200x128xf32, #tpu.memory_space<hbm>> -> memref<256x128xf32, #tpu.memory_space<hbm>>
        %dma_wait3A_247 = arith.constant 0 : i32
        %dma_wait3A_248 = arith.constant 0 : i32
        %dma_wait3A_249 = tpu.memref_slice %arg6[%dma_wait3A_238, %dma_wait3A_247, %dma_wait3A_248] : memref<2x256x128xf32, #tpu.memory_space<vmem>> -> memref<1x256x128xf32, #tpu.memory_space<vmem>>
        %dma_wait3A_250 = tpu.memref_squeeze %dma_wait3A_249 : memref<1x256x128xf32, #tpu.memory_space<vmem>> -> memref<256x128xf32, #tpu.memory_space<vmem>>
        tpu.wait_dma2 semaphore(%arg10 : memref<!tpu.dma_semaphore, #tpu.memory_space<semaphore_mem>>) src(%dma_wait3A_250 : memref<256x128xf32, #tpu.memory_space<vmem>>) dst(%dma_wait3A_246 : memref<256x128xf32, #tpu.memory_space<hbm>>)
      } else {
      }
      %add3A_117 = arith.constant 1 : i32
      %add3A_118 = arith.addi %add3A_114, %add3A_117 : i32
      %lt3A = arith.cmpi slt, %add3A_118, %select_n3A_26 : i32
      %convert_element_type3A_119 = arith.extui %lt3A : i1 to i32
      %cond3A_120 = arith.constant 0 : i32
      %cond3A_121 = arith.cmpi ne, %convert_element_type3A_119, %cond3A_120 : i32
      scf.if %cond3A_121 {
        %add3A_233 = arith.constant 1 : i32
        %add3A_234 = arith.addi %add3A_114, %add3A_233 : i32
        %mul3A_235 = arith.constant 2 : i32
        %mul3A_236 = arith.muli %add3A_234, %mul3A_235 : i32
        %add3A_237 = arith.addi %sub3A_30, %mul3A_236 : i32
        %add3A_238 = arith.constant 0 : i32
        %add3A_239 = arith.addi %add3A_237, %add3A_238 : i32
        %dma_start3A_240 = arith.constant 1 : i32
        %dma_start3A_241 = arith.constant 0 : i32
        %dma_start3A_242 = arith.constant 0 : i32
        %dma_start3A_243 = tpu.memref_slice %arg6[%dma_start3A_240, %dma_start3A_241, %dma_start3A_242] : memref<2x256x128xf32, #tpu.memory_space<vmem>> -> memref<1x128x128xf32, #tpu.memory_space<vmem>>
        %dma_start3A_244 = tpu.memref_squeeze %dma_start3A_243 : memref<1x128x128xf32, #tpu.memory_space<vmem>> -> memref<128x128xf32, #tpu.memory_space<vmem>>
        %dma_start3A_245 = arith.constant 0 : i32
        %dma_start3A_246 = tpu.memref_slice %arg5[%add3A_239, %dma_start3A_245] : memref<208x128xi32, #tpu.memory_space<vmem>> -> memref<1x128xi32, #tpu.memory_space<vmem>>
        %dma_start3A_247 = tpu.memref_squeeze %dma_start3A_246 : memref<1x128xi32, #tpu.memory_space<vmem>> -> memref<128xi32, #tpu.memory_space<vmem>>
        %dma_start3A_248 = arith.constant 0 : i32
        %dma_start3A_249 = arith.constant 0 : i32
        %dma_start3A_250 = tpu.memref_slice %arg3[%dma_start3A_248, %dma_start3A_249] : memref<100000x128xf32, #tpu.memory_space<hbm>> -> memref<100000x128xf32, #tpu.memory_space<hbm>>
        tpu.enqueue_indirect_dma source(%dma_start3A_250 : memref<100000x128xf32, #tpu.memory_space<hbm>>) target(%dma_start3A_244 : memref<128x128xf32, #tpu.memory_space<vmem>>) offsets(%dma_start3A_247 : memref<128xi32, #tpu.memory_space<vmem>>) semaphore(%arg8 : memref<!tpu.dma_semaphore, #tpu.memory_space<semaphore_mem>>)
        %mul3A_251 = arith.constant 2 : i32
        %mul3A_252 = arith.muli %add3A_234, %mul3A_251 : i32
        %add3A_253 = arith.addi %sub3A_30, %mul3A_252 : i32
        %add3A_254 = arith.constant 1 : i32
        %add3A_255 = arith.addi %add3A_253, %add3A_254 : i32
        %dma_start3A_256 = arith.constant 1 : i32
        %dma_start3A_257 = arith.constant 128 : i32
        %dma_start3A_258 = arith.constant 0 : i32
        %dma_start3A_259 = tpu.memref_slice %arg6[%dma_start3A_256, %dma_start3A_257, %dma_start3A_258] : memref<2x256x128xf32, #tpu.memory_space<vmem>> -> memref<1x128x128xf32, #tpu.memory_space<vmem>>
        %dma_start3A_260 = tpu.memref_squeeze %dma_start3A_259 : memref<1x128x128xf32, #tpu.memory_space<vmem>> -> memref<128x128xf32, #tpu.memory_space<vmem>>
        %dma_start3A_261 = arith.constant 0 : i32
        %dma_start3A_262 = tpu.memref_slice %arg5[%add3A_255, %dma_start3A_261] : memref<208x128xi32, #tpu.memory_space<vmem>> -> memref<1x128xi32, #tpu.memory_space<vmem>>
        %dma_start3A_263 = tpu.memref_squeeze %dma_start3A_262 : memref<1x128xi32, #tpu.memory_space<vmem>> -> memref<128xi32, #tpu.memory_space<vmem>>
        %dma_start3A_264 = arith.constant 0 : i32
        %dma_start3A_265 = arith.constant 0 : i32
        %dma_start3A_266 = tpu.memref_slice %arg3[%dma_start3A_264, %dma_start3A_265] : memref<100000x128xf32, #tpu.memory_space<hbm>> -> memref<100000x128xf32, #tpu.memory_space<hbm>>
        tpu.enqueue_indirect_dma source(%dma_start3A_266 : memref<100000x128xf32, #tpu.memory_space<hbm>>) target(%dma_start3A_260 : memref<128x128xf32, #tpu.memory_space<vmem>>) offsets(%dma_start3A_263 : memref<128xi32, #tpu.memory_space<vmem>>) semaphore(%arg8 : memref<!tpu.dma_semaphore, #tpu.memory_space<semaphore_mem>>)
      } else {
      }
      %mul3A_122 = arith.constant 2 : i32
      %mul3A_123 = arith.muli %add3A_114, %mul3A_122 : i32
      %add3A_124 = arith.addi %sub3A_30, %mul3A_123 : i32
      %add3A_125 = arith.constant 0 : i32
      %add3A_126 = arith.addi %add3A_124, %add3A_125 : i32
      %dma_wait3A_127 = arith.constant 0 : i32
      %dma_wait3A_128 = arith.constant 0 : i32
      %dma_wait3A_129 = arith.constant 0 : i32
      %dma_wait3A_130 = tpu.memref_slice %arg6[%dma_wait3A_127, %dma_wait3A_128, %dma_wait3A_129] : memref<2x256x128xf32, #tpu.memory_space<vmem>> -> memref<1x128x128xf32, #tpu.memory_space<vmem>>
      %dma_wait3A_131 = tpu.memref_squeeze %dma_wait3A_130 : memref<1x128x128xf32, #tpu.memory_space<vmem>> -> memref<128x128xf32, #tpu.memory_space<vmem>>
      %dma_wait3A_132 = arith.constant 0 : i32
      %dma_wait3A_133 = tpu.memref_slice %arg5[%add3A_126, %dma_wait3A_132] : memref<208x128xi32, #tpu.memory_space<vmem>> -> memref<1x128xi32, #tpu.memory_space<vmem>>
      %dma_wait3A_134 = tpu.memref_squeeze %dma_wait3A_133 : memref<1x128xi32, #tpu.memory_space<vmem>> -> memref<128xi32, #tpu.memory_space<vmem>>
      %dma_wait3A_135 = arith.constant 0 : i32
      %dma_wait3A_136 = arith.constant 0 : i32
      %dma_wait3A_137 = tpu.memref_slice %arg3[%dma_wait3A_135, %dma_wait3A_136] : memref<100000x128xf32, #tpu.memory_space<hbm>> -> memref<100000x128xf32, #tpu.memory_space<hbm>>
      tpu.wait_indirect_dma semaphore(%arg7 : memref<!tpu.dma_semaphore, #tpu.memory_space<semaphore_mem>>) src(%dma_wait3A_137 : memref<100000x128xf32, #tpu.memory_space<hbm>>) dst(%dma_wait3A_131 : memref<128x128xf32, #tpu.memory_space<vmem>>)
      %mul3A_138 = arith.constant 2 : i32
      %mul3A_139 = arith.muli %add3A_114, %mul3A_138 : i32
      %add3A_140 = arith.addi %sub3A_30, %mul3A_139 : i32
      %add3A_141 = arith.constant 1 : i32
      %add3A_142 = arith.addi %add3A_140, %add3A_141 : i32
      %dma_wait3A_143 = arith.constant 0 : i32
      %dma_wait3A_144 = arith.constant 128 : i32
      %dma_wait3A_145 = arith.constant 0 : i32
      %dma_wait3A_146 = tpu.memref_slice %arg6[%dma_wait3A_143, %dma_wait3A_144, %dma_wait3A_145] : memref<2x256x128xf32, #tpu.memory_space<vmem>> -> memref<1x128x128xf32, #tpu.memory_space<vmem>>
      %dma_wait3A_147 = tpu.memref_squeeze %dma_wait3A_146 : memref<1x128x128xf32, #tpu.memory_space<vmem>> -> memref<128x128xf32, #tpu.memory_space<vmem>>
      %dma_wait3A_148 = arith.constant 0 : i32
      %dma_wait3A_149 = tpu.memref_slice %arg5[%add3A_142, %dma_wait3A_148] : memref<208x128xi32, #tpu.memory_space<vmem>> -> memref<1x128xi32, #tpu.memory_space<vmem>>
      %dma_wait3A_150 = tpu.memref_squeeze %dma_wait3A_149 : memref<1x128xi32, #tpu.memory_space<vmem>> -> memref<128xi32, #tpu.memory_space<vmem>>
      %dma_wait3A_151 = arith.constant 0 : i32
      %dma_wait3A_152 = arith.constant 0 : i32
      %dma_wait3A_153 = tpu.memref_slice %arg3[%dma_wait3A_151, %dma_wait3A_152] : memref<100000x128xf32, #tpu.memory_space<hbm>> -> memref<100000x128xf32, #tpu.memory_space<hbm>>
      tpu.wait_indirect_dma semaphore(%arg7 : memref<!tpu.dma_semaphore, #tpu.memory_space<semaphore_mem>>) src(%dma_wait3A_153 : memref<100000x128xf32, #tpu.memory_space<hbm>>) dst(%dma_wait3A_147 : memref<128x128xf32, #tpu.memory_space<vmem>>)
      %mul3A_154 = arith.constant 256 : i32
      %mul3A_155 = arith.muli %add3A_114, %mul3A_154 : i32
      %add3A_156 = arith.addi %mul3A_28, %mul3A_155 : i32
      %dma_start3A_157 = arith.constant 0 : i32
      %dma_start3A_158 = arith.constant 0 : i32
      %dma_start3A_159 = arith.constant 0 : i32
      %dma_start3A_160 = tpu.memref_slice %arg6[%dma_start3A_157, %dma_start3A_158, %dma_start3A_159] : memref<2x256x128xf32, #tpu.memory_space<vmem>> -> memref<1x256x128xf32, #tpu.memory_space<vmem>>
      %dma_start3A_161 = tpu.memref_squeeze %dma_start3A_160 : memref<1x256x128xf32, #tpu.memory_space<vmem>> -> memref<256x128xf32, #tpu.memory_space<vmem>>
      %dma_start3A_162 = arith.constant 0 : i32
      %dma_start3A_163 = tpu.memref_slice %arg4[%add3A_156, %dma_start3A_162] : memref<819200x128xf32, #tpu.memory_space<hbm>> -> memref<256x128xf32, #tpu.memory_space<hbm>>
      %dma_start3A_164 = arith.constant 0 : i32
      %dma_start3A_165 = tpu.memref_slice %arg4[%add3A_156, %dma_start3A_164] : memref<819200x128xf32, #tpu.memory_space<hbm>> -> memref<256x128xf32, #tpu.memory_space<hbm>>
      %dma_start3A_166 = arith.constant 0 : i32
      %dma_start3A_167 = arith.constant 0 : i32
      %dma_start3A_168 = tpu.memref_slice %arg6[%dma_start3A_157, %dma_start3A_166, %dma_start3A_167] : memref<2x256x128xf32, #tpu.memory_space<vmem>> -> memref<1x256x128xf32, #tpu.memory_space<vmem>>
      %dma_start3A_169 = tpu.memref_squeeze %dma_start3A_168 : memref<1x256x128xf32, #tpu.memory_space<vmem>> -> memref<256x128xf32, #tpu.memory_space<vmem>>
      tpu.enqueue_dma source(%dma_start3A_169 : memref<256x128xf32, #tpu.memory_space<vmem>>) target(%dma_start3A_165 : memref<256x128xf32, #tpu.memory_space<hbm>>) target_semaphore(%arg9 : memref<!tpu.dma_semaphore, #tpu.memory_space<semaphore_mem>>)
      %mul3A_170 = arith.constant 2 : i32
      %mul3A_171 = arith.muli %mul3A_170, %while3A_110 : i32
      %add3A_172 = arith.constant 1 : i32
      %add3A_173 = arith.addi %mul3A_171, %add3A_172 : i32
      %gt3A_174 = arith.constant 0 : i32
      %gt3A_175 = arith.cmpi sgt, %add3A_173, %gt3A_174 : i32
      %convert_element_type3A_176 = arith.extui %gt3A_175 : i1 to i32
      %cond3A_177 = arith.constant 0 : i32
      %cond3A_178 = arith.cmpi ne, %convert_element_type3A_176, %cond3A_177 : i32
      scf.if %cond3A_178 {
        %sub3A_233 = arith.constant 1 : i32
        %sub3A_234 = arith.subi %add3A_173, %sub3A_233 : i32
        %mul3A_235 = arith.constant 256 : i32
        %mul3A_236 = arith.muli %sub3A_234, %mul3A_235 : i32
        %add3A_237 = arith.addi %mul3A_28, %mul3A_236 : i32
        %dma_wait3A_238 = arith.constant 0 : i32
        %dma_wait3A_239 = arith.constant 0 : i32
        %dma_wait3A_240 = arith.constant 0 : i32
        %dma_wait3A_241 = tpu.memref_slice %arg6[%dma_wait3A_238, %dma_wait3A_239, %dma_wait3A_240] : memref<2x256x128xf32, #tpu.memory_space<vmem>> -> memref<1x256x128xf32, #tpu.memory_space<vmem>>
        %dma_wait3A_242 = tpu.memref_squeeze %dma_wait3A_241 : memref<1x256x128xf32, #tpu.memory_space<vmem>> -> memref<256x128xf32, #tpu.memory_space<vmem>>
        %dma_wait3A_243 = arith.constant 0 : i32
        %dma_wait3A_244 = tpu.memref_slice %arg4[%add3A_237, %dma_wait3A_243] : memref<819200x128xf32, #tpu.memory_space<hbm>> -> memref<256x128xf32, #tpu.memory_space<hbm>>
        %dma_wait3A_245 = arith.constant 0 : i32
        %dma_wait3A_246 = tpu.memref_slice %arg4[%add3A_237, %dma_wait3A_245] : memref<819200x128xf32, #tpu.memory_space<hbm>> -> memref<256x128xf32, #tpu.memory_space<hbm>>
        %dma_wait3A_247 = arith.constant 0 : i32
        %dma_wait3A_248 = arith.constant 0 : i32
        %dma_wait3A_249 = tpu.memref_slice %arg6[%dma_wait3A_238, %dma_wait3A_247, %dma_wait3A_248] : memref<2x256x128xf32, #tpu.memory_space<vmem>> -> memref<1x256x128xf32, #tpu.memory_space<vmem>>
        %dma_wait3A_250 = tpu.memref_squeeze %dma_wait3A_249 : memref<1x256x128xf32, #tpu.memory_space<vmem>> -> memref<256x128xf32, #tpu.memory_space<vmem>>
        tpu.wait_dma2 semaphore(%arg9 : memref<!tpu.dma_semaphore, #tpu.memory_space<semaphore_mem>>) src(%dma_wait3A_250 : memref<256x128xf32, #tpu.memory_space<vmem>>) dst(%dma_wait3A_246 : memref<256x128xf32, #tpu.memory_space<hbm>>)
      } else {
      }
      %add3A_179 = arith.constant 1 : i32
      %add3A_180 = arith.addi %add3A_173, %add3A_179 : i32
      %lt3A_181 = arith.cmpi slt, %add3A_180, %select_n3A_26 : i32
      %convert_element_type3A_182 = arith.extui %lt3A_181 : i1 to i32
      %cond3A_183 = arith.constant 0 : i32
      %cond3A_184 = arith.cmpi ne, %convert_element_type3A_182, %cond3A_183 : i32
      scf.if %cond3A_184 {
        %add3A_233 = arith.constant 1 : i32
        %add3A_234 = arith.addi %add3A_173, %add3A_233 : i32
        %mul3A_235 = arith.constant 2 : i32
        %mul3A_236 = arith.muli %add3A_234, %mul3A_235 : i32
        %add3A_237 = arith.addi %sub3A_30, %mul3A_236 : i32
        %add3A_238 = arith.constant 0 : i32
        %add3A_239 = arith.addi %add3A_237, %add3A_238 : i32
        %dma_start3A_240 = arith.constant 0 : i32
        %dma_start3A_241 = arith.constant 0 : i32
        %dma_start3A_242 = arith.constant 0 : i32
        %dma_start3A_243 = tpu.memref_slice %arg6[%dma_start3A_240, %dma_start3A_241, %dma_start3A_242] : memref<2x256x128xf32, #tpu.memory_space<vmem>> -> memref<1x128x128xf32, #tpu.memory_space<vmem>>
        %dma_start3A_244 = tpu.memref_squeeze %dma_start3A_243 : memref<1x128x128xf32, #tpu.memory_space<vmem>> -> memref<128x128xf32, #tpu.memory_space<vmem>>
        %dma_start3A_245 = arith.constant 0 : i32
        %dma_start3A_246 = tpu.memref_slice %arg5[%add3A_239, %dma_start3A_245] : memref<208x128xi32, #tpu.memory_space<vmem>> -> memref<1x128xi32, #tpu.memory_space<vmem>>
        %dma_start3A_247 = tpu.memref_squeeze %dma_start3A_246 : memref<1x128xi32, #tpu.memory_space<vmem>> -> memref<128xi32, #tpu.memory_space<vmem>>
        %dma_start3A_248 = arith.constant 0 : i32
        %dma_start3A_249 = arith.constant 0 : i32
        %dma_start3A_250 = tpu.memref_slice %arg3[%dma_start3A_248, %dma_start3A_249] : memref<100000x128xf32, #tpu.memory_space<hbm>> -> memref<100000x128xf32, #tpu.memory_space<hbm>>
        tpu.enqueue_indirect_dma source(%dma_start3A_250 : memref<100000x128xf32, #tpu.memory_space<hbm>>) target(%dma_start3A_244 : memref<128x128xf32, #tpu.memory_space<vmem>>) offsets(%dma_start3A_247 : memref<128xi32, #tpu.memory_space<vmem>>) semaphore(%arg7 : memref<!tpu.dma_semaphore, #tpu.memory_space<semaphore_mem>>)
        %mul3A_251 = arith.constant 2 : i32
        %mul3A_252 = arith.muli %add3A_234, %mul3A_251 : i32
        %add3A_253 = arith.addi %sub3A_30, %mul3A_252 : i32
        %add3A_254 = arith.constant 1 : i32
        %add3A_255 = arith.addi %add3A_253, %add3A_254 : i32
        %dma_start3A_256 = arith.constant 0 : i32
        %dma_start3A_257 = arith.constant 128 : i32
        %dma_start3A_258 = arith.constant 0 : i32
        %dma_start3A_259 = tpu.memref_slice %arg6[%dma_start3A_256, %dma_start3A_257, %dma_start3A_258] : memref<2x256x128xf32, #tpu.memory_space<vmem>> -> memref<1x128x128xf32, #tpu.memory_space<vmem>>
        %dma_start3A_260 = tpu.memref_squeeze %dma_start3A_259 : memref<1x128x128xf32, #tpu.memory_space<vmem>> -> memref<128x128xf32, #tpu.memory_space<vmem>>
        %dma_start3A_261 = arith.constant 0 : i32
        %dma_start3A_262 = tpu.memref_slice %arg5[%add3A_255, %dma_start3A_261] : memref<208x128xi32, #tpu.memory_space<vmem>> -> memref<1x128xi32, #tpu.memory_space<vmem>>
        %dma_start3A_263 = tpu.memref_squeeze %dma_start3A_262 : memref<1x128xi32, #tpu.memory_space<vmem>> -> memref<128xi32, #tpu.memory_space<vmem>>
        %dma_start3A_264 = arith.constant 0 : i32
        %dma_start3A_265 = arith.constant 0 : i32
        %dma_start3A_266 = tpu.memref_slice %arg3[%dma_start3A_264, %dma_start3A_265] : memref<100000x128xf32, #tpu.memory_space<hbm>> -> memref<100000x128xf32, #tpu.memory_space<hbm>>
        tpu.enqueue_indirect_dma source(%dma_start3A_266 : memref<100000x128xf32, #tpu.memory_space<hbm>>) target(%dma_start3A_260 : memref<128x128xf32, #tpu.memory_space<vmem>>) offsets(%dma_start3A_263 : memref<128xi32, #tpu.memory_space<vmem>>) semaphore(%arg7 : memref<!tpu.dma_semaphore, #tpu.memory_space<semaphore_mem>>)
      } else {
      }
      %mul3A_185 = arith.constant 2 : i32
      %mul3A_186 = arith.muli %add3A_173, %mul3A_185 : i32
      %add3A_187 = arith.addi %sub3A_30, %mul3A_186 : i32
      %add3A_188 = arith.constant 0 : i32
      %add3A_189 = arith.addi %add3A_187, %add3A_188 : i32
      %dma_wait3A_190 = arith.constant 1 : i32
      %dma_wait3A_191 = arith.constant 0 : i32
      %dma_wait3A_192 = arith.constant 0 : i32
      %dma_wait3A_193 = tpu.memref_slice %arg6[%dma_wait3A_190, %dma_wait3A_191, %dma_wait3A_192] : memref<2x256x128xf32, #tpu.memory_space<vmem>> -> memref<1x128x128xf32, #tpu.memory_space<vmem>>
      %dma_wait3A_194 = tpu.memref_squeeze %dma_wait3A_193 : memref<1x128x128xf32, #tpu.memory_space<vmem>> -> memref<128x128xf32, #tpu.memory_space<vmem>>
      %dma_wait3A_195 = arith.constant 0 : i32
      %dma_wait3A_196 = tpu.memref_slice %arg5[%add3A_189, %dma_wait3A_195] : memref<208x128xi32, #tpu.memory_space<vmem>> -> memref<1x128xi32, #tpu.memory_space<vmem>>
      %dma_wait3A_197 = tpu.memref_squeeze %dma_wait3A_196 : memref<1x128xi32, #tpu.memory_space<vmem>> -> memref<128xi32, #tpu.memory_space<vmem>>
      %dma_wait3A_198 = arith.constant 0 : i32
      %dma_wait3A_199 = arith.constant 0 : i32
      %dma_wait3A_200 = tpu.memref_slice %arg3[%dma_wait3A_198, %dma_wait3A_199] : memref<100000x128xf32, #tpu.memory_space<hbm>> -> memref<100000x128xf32, #tpu.memory_space<hbm>>
      tpu.wait_indirect_dma semaphore(%arg8 : memref<!tpu.dma_semaphore, #tpu.memory_space<semaphore_mem>>) src(%dma_wait3A_200 : memref<100000x128xf32, #tpu.memory_space<hbm>>) dst(%dma_wait3A_194 : memref<128x128xf32, #tpu.memory_space<vmem>>)
      %mul3A_201 = arith.constant 2 : i32
      %mul3A_202 = arith.muli %add3A_173, %mul3A_201 : i32
      %add3A_203 = arith.addi %sub3A_30, %mul3A_202 : i32
      %add3A_204 = arith.constant 1 : i32
      %add3A_205 = arith.addi %add3A_203, %add3A_204 : i32
      %dma_wait3A_206 = arith.constant 1 : i32
      %dma_wait3A_207 = arith.constant 128 : i32
      %dma_wait3A_208 = arith.constant 0 : i32
      %dma_wait3A_209 = tpu.memref_slice %arg6[%dma_wait3A_206, %dma_wait3A_207, %dma_wait3A_208] : memref<2x256x128xf32, #tpu.memory_space<vmem>> -> memref<1x128x128xf32, #tpu.memory_space<vmem>>
      %dma_wait3A_210 = tpu.memref_squeeze %dma_wait3A_209 : memref<1x128x128xf32, #tpu.memory_space<vmem>> -> memref<128x128xf32, #tpu.memory_space<vmem>>
      %dma_wait3A_211 = arith.constant 0 : i32
      %dma_wait3A_212 = tpu.memref_slice %arg5[%add3A_205, %dma_wait3A_211] : memref<208x128xi32, #tpu.memory_space<vmem>> -> memref<1x128xi32, #tpu.memory_space<vmem>>
      %dma_wait3A_213 = tpu.memref_squeeze %dma_wait3A_212 : memref<1x128xi32, #tpu.memory_space<vmem>> -> memref<128xi32, #tpu.memory_space<vmem>>
      %dma_wait3A_214 = arith.constant 0 : i32
      %dma_wait3A_215 = arith.constant 0 : i32
      %dma_wait3A_216 = tpu.memref_slice %arg3[%dma_wait3A_214, %dma_wait3A_215] : memref<100000x128xf32, #tpu.memory_space<hbm>> -> memref<100000x128xf32, #tpu.memory_space<hbm>>
      tpu.wait_indirect_dma semaphore(%arg8 : memref<!tpu.dma_semaphore, #tpu.memory_space<semaphore_mem>>) src(%dma_wait3A_216 : memref<100000x128xf32, #tpu.memory_space<hbm>>) dst(%dma_wait3A_210 : memref<128x128xf32, #tpu.memory_space<vmem>>)
      %mul3A_217 = arith.constant 256 : i32
      %mul3A_218 = arith.muli %add3A_173, %mul3A_217 : i32
      %add3A_219 = arith.addi %mul3A_28, %mul3A_218 : i32
      %dma_start3A_220 = arith.constant 1 : i32
      %dma_start3A_221 = arith.constant 0 : i32
      %dma_start3A_222 = arith.constant 0 : i32
      %dma_start3A_223 = tpu.memref_slice %arg6[%dma_start3A_220, %dma_start3A_221, %dma_start3A_222] : memref<2x256x128xf32, #tpu.memory_space<vmem>> -> memref<1x256x128xf32, #tpu.memory_space<vmem>>
      %dma_start3A_224 = tpu.memref_squeeze %dma_start3A_223 : memref<1x256x128xf32, #tpu.memory_space<vmem>> -> memref<256x128xf32, #tpu.memory_space<vmem>>
      %dma_start3A_225 = arith.constant 0 : i32
      %dma_start3A_226 = tpu.memref_slice %arg4[%add3A_219, %dma_start3A_225] : memref<819200x128xf32, #tpu.memory_space<hbm>> -> memref<256x128xf32, #tpu.memory_space<hbm>>
      %dma_start3A_227 = arith.constant 0 : i32
      %dma_start3A_228 = tpu.memref_slice %arg4[%add3A_219, %dma_start3A_227] : memref<819200x128xf32, #tpu.memory_space<hbm>> -> memref<256x128xf32, #tpu.memory_space<hbm>>
      %dma_start3A_229 = arith.constant 0 : i32
      %dma_start3A_230 = arith.constant 0 : i32
      %dma_start3A_231 = tpu.memref_slice %arg6[%dma_start3A_220, %dma_start3A_229, %dma_start3A_230] : memref<2x256x128xf32, #tpu.memory_space<vmem>> -> memref<1x256x128xf32, #tpu.memory_space<vmem>>
      %dma_start3A_232 = tpu.memref_squeeze %dma_start3A_231 : memref<1x256x128xf32, #tpu.memory_space<vmem>> -> memref<256x128xf32, #tpu.memory_space<vmem>>
      tpu.enqueue_dma source(%dma_start3A_232 : memref<256x128xf32, #tpu.memory_space<vmem>>) target(%dma_start3A_228 : memref<256x128xf32, #tpu.memory_space<hbm>>) target_semaphore(%arg10 : memref<!tpu.dma_semaphore, #tpu.memory_space<semaphore_mem>>)
    }
    %sub3A_93 = arith.constant 1 : i32
    %sub3A_94 = arith.subi %select_n3A_26, %sub3A_93 : i32
    %mul3A_95 = arith.constant 256 : i32
    %mul3A_96 = arith.muli %sub3A_94, %mul3A_95 : i32
    %add3A_97 = arith.addi %mul3A_28, %mul3A_96 : i32
    %dma_wait3A = arith.constant 1 : i32
    %dma_wait3A_98 = arith.constant 0 : i32
    %dma_wait3A_99 = arith.constant 0 : i32
    %dma_wait3A_100 = tpu.memref_slice %arg6[%dma_wait3A, %dma_wait3A_98, %dma_wait3A_99] : memref<2x256x128xf32, #tpu.memory_space<vmem>> -> memref<1x256x128xf32, #tpu.memory_space<vmem>>
    %dma_wait3A_101 = tpu.memref_squeeze %dma_wait3A_100 : memref<1x256x128xf32, #tpu.memory_space<vmem>> -> memref<256x128xf32, #tpu.memory_space<vmem>>
    %dma_wait3A_102 = arith.constant 0 : i32
    %dma_wait3A_103 = tpu.memref_slice %arg4[%add3A_97, %dma_wait3A_102] : memref<819200x128xf32, #tpu.memory_space<hbm>> -> memref<256x128xf32, #tpu.memory_space<hbm>>
    %dma_wait3A_104 = arith.constant 0 : i32
    %dma_wait3A_105 = tpu.memref_slice %arg4[%add3A_97, %dma_wait3A_104] : memref<819200x128xf32, #tpu.memory_space<hbm>> -> memref<256x128xf32, #tpu.memory_space<hbm>>
    %dma_wait3A_106 = arith.constant 0 : i32
    %dma_wait3A_107 = arith.constant 0 : i32
    %dma_wait3A_108 = tpu.memref_slice %arg6[%dma_wait3A, %dma_wait3A_106, %dma_wait3A_107] : memref<2x256x128xf32, #tpu.memory_space<vmem>> -> memref<1x256x128xf32, #tpu.memory_space<vmem>>
    %dma_wait3A_109 = tpu.memref_squeeze %dma_wait3A_108 : memref<1x256x128xf32, #tpu.memory_space<vmem>> -> memref<256x128xf32, #tpu.memory_space<vmem>>
    tpu.wait_dma2 semaphore(%arg10 : memref<!tpu.dma_semaphore, #tpu.memory_space<semaphore_mem>>) src(%dma_wait3A_109 : memref<256x128xf32, #tpu.memory_space<vmem>>) dst(%dma_wait3A_105 : memref<256x128xf32, #tpu.memory_space<hbm>>)
    return
  }
}

</mosaic_0001>

<sc_bundles>
// kernel: kernel.3.cloned.1.call-start
scs
__scs_entry_jumppad:
0x0: {  	(pc) =	sbr.rel $0x88, $3  }
0x1: {  	(tag) =	ssettag $0x0;
	lr =	simm.s32 $0x1  }
0x2: {  	[smem:$0x3F9F] =	sst lr;
	_ =	strace $0xD0000000  }
0x3: {  	_ = 	snop  }
0x4: {  	_ = 	snop  }
0x5: {  	_ = 	snop  }
0x6: {  	_ = 	snop  }
0x7: {  	_ = 	snop  }
__scs_overlays_trampoline_lowered:
0x8: {  	[smem:$0x3FAE] =	sst s0  }
0x9: {  	[smem:$0x3FAF] =	sst s1  }
0xa: {  	[smem:$0x3FB0] =	sst s2  }
0xb: {  	[smem:$0x3FB1] =	sst s3  }
0xc: {  	[smem:$0x3FB2] =	sst s4  }
0xd: {  	[smem:$0x3FB3] =	sst s5  }
0xe: {  	[smem:$0x3FB4] =	sst s6  }
0xf: {  	[smem:$0x3FB5] =	sst s7  }
0x10: {  	[smem:$0x3FB6] =	sst s8  }
0x11: {  	[smem:$0x3FB7] =	sst s9;
	s0 =	simm.s32 @!p0 $0x0  }
0x12: {  	s1 =	sld [smem:$0x3F9D];
	s0 =	simm.s32 @p0 $0x1  }
0x13: {  	[smem:$0x3FB8] =	sst s0;
	s0 =	simm.s32 @!p1 $0x0  }
0x14: {  	s2 =	sld [smem:$0x3F9C];
	s0 =	simm.s32 @p1 $0x1  }
0x15: {  	[smem:$0x3FB9] =	sst s0;
	s0 =	simm.s32 @!p2 $0x0  }
0x16: {  	s3 =	sld [smem:$0x3FDB];
	s0 =	simm.s32 @p2 $0x1  }
0x17: {  	s4 =	simm.s32 $0x1BF5;
	[smem:$0x3FBB] =	sst s0  }
0x18: {  	s0 =	sld [smem:$0x3F9E];
	_ =	swait.ge [sflag:s4], $0x0  }
0x19: {  	s7 =	sld [smem:$0x3F9F]  }
0x1a: {  	s8 =	sadd.s32 $0xFFFFE003, lr  }
0x1b: {  	s9 =	sadd.s32 $0xFFFFFEF7, lr;
	s5 =	simm.s32 $0xFFFFFFFF;
	p2 =	slt.u32 s8, $0xFFFFF086  }
0x1c: {  	p1 =	slt.u32 s9, $0xF7A;
	s5 =	simm.s32 @!p2 $0x0  }
0x1d: {  	s5 =	simm.s32 @p1 $0x1;
	p0 =	seq.s32 s7, s2  }
0x1e: {  	s7 =	smul.u32 @!p0 $0xF7A, s2;
	p2 =	seq.s32 @!p0 s5, $0x0  }
0x1f: {  	s9 =	smul.u32 $0xF7A, s1;
	s8 =	simm.s32 @!p0 $0x1BF5;
	p2 =	por !p2, p0  }
0x20: {  	[sflag:s8] =	ssyncset.s32 @!p0 $0xFFFFF086;
	s6 =	sadd.s32 @!p0 s3, s7;
	s7 =	simm.s32 @!p0 $0x108  }
0x21: {  	s3 =	sadd.s32 s3, s9;
	s6 =	sadd.s32 @!p0 $0x88, s6;
	s7 =	simm.s32 @p2 $0x1082  }
0x22: {  	[simem:s7], [sflag:s8] =	dma.local @!p0 [hbm:s6], $0xF7A  }
0x23: {  	s9 =	sor.u32 $0xD0000000, s2;
	s6 =	simm.s32 $0x108;
	_ =	swait.ge @!p0 [sflag:s8], $0x0  }
0x24: {  	s3 =	sadd.s32 $0x88, s3;
	s6 =	simm.s32 @!p1 $0x1082;
	[sflag:s4] =	ssyncset.s32 $0xFFFFF086  }
0x25: {  	[simem:s6], [sflag:s4] =	dma.local [hbm:s3], $0xF7A  }
0x26: {  	[smem:$0x3F9F] =	sst s1;
	(tag) =	ssettag s2;
	_ =	strace s9  }
0x27: {  	s1 =	sld [smem:$0x3FAF]  }
0x28: {  	s2 =	sld [smem:$0x3FB0]  }
0x29: {  	s4 =	sld [smem:$0x3FB2]  }
0x2a: {  	p0 =	seq.s32 s5, $0x0;
	s5 =	sld [smem:$0x3FB3]  }
0x2b: {  	s6 =	sld [smem:$0x3FB4]  }
0x2c: {  	s7 =	sld [smem:$0x3FB5]  }
0x2d: {  	s3 =	simm.s32 $0x108;
	s8 =	sld [smem:$0x3FB6]  }
0x2e: {  	s3 =	simm.s32 @!p0 $0x1082;
	s9 =	sld [smem:$0x3FB7]  }
0x2f: {  	lr =	sadd.s32 s0, s3;
	s0 =	sld [smem:$0x3FAE]  }
0x30: {  	s3 =	sld [smem:$0x3FB1]  }
0x31: {  	[smem:$0x3FBA] =	sst s10  }
0x32: {  	s10 =	sld [smem:$0x3FB8];
	_ =	sdelay $0x3  }
0x33: {  	p0 =	seq.s32 s10, $0x1;
	s10 =	sld [smem:$0x3FBA];
	_ =	sdelay $0x3  }
0x34: {  	[smem:$0x3FBA] =	sst s10  }
0x35: {  	s10 =	sld [smem:$0x3FB9];
	_ =	sdelay $0x3  }
0x36: {  	p1 =	seq.s32 s10, $0x1;
	s10 =	sld [smem:$0x3FBA];
	_ =	sdelay $0x3  }
0x37: {  	[smem:$0x3FBA] =	sst s10  }
0x38: {  	s10 =	sld [smem:$0x3FBB]  }
0x39: {  	_ = 	snop;
	(pc) =	sbr.ind lr, $3  }
0x3a: {  	_ = 	snop  }
0x3b: {  	_ = 	snop  }
0x3c: {  	p2 =	seq.s32 s10, $0x1;
	s10 =	sld [smem:$0x3FBA]  }
0x3d: {  	_ =	shalt  }
0x3e: {  	_ =	shalt  }
0x3f: {  	_ =	shalt  }
0x40: {  	_ =	shalt  }
0x41: {  	_ =	shalt  }
0x42: {  	_ =	shalt  }
0x43: {  	_ =	shalt  }
0x44: {  	_ =	shalt  }
0x45: {  	_ =	shalt  }
0x46: {  	_ =	shalt  }
0x47: {  	_ =	shalt  }
0x48: {  	_ =	shalt  }
0x49: {  	_ =	shalt  }
0x4a: {  	_ =	shalt  }
0x4b: {  	_ =	shalt  }
0x4c: {  	_ =	shalt  }
0x4d: {  	_ =	shalt  }
0x4e: {  	_ =	shalt  }
0x4f: {  	_ =	shalt  }
0x50: {  	_ =	shalt  }
0x51: {  	_ =	shalt  }
0x52: {  	_ =	shalt  }
0x53: {  	_ =	shalt  }
0x54: {  	_ =	shalt  }
0x55: {  	_ =	shalt  }
0x56: {  	_ =	shalt  }
0x57: {  	_ =	shalt  }
0x58: {  	_ =	shalt  }
0x59: {  	_ =	shalt  }
0x5a: {  	_ =	shalt  }
0x5b: {  	_ =	shalt  }
0x5c: {  	_ =	shalt  }
0x5d: {  	_ =	shalt  }
0x5e: {  	_ =	shalt  }
0x5f: {  	_ =	shalt  }
0x60: {  	_ =	shalt  }
0x61: {  	_ =	shalt  }
0x62: {  	_ =	shalt  }
0x63: {  	_ =	shalt  }
0x64: {  	_ =	shalt  }
0x65: {  	_ =	shalt  }
0x66: {  	_ =	shalt  }
0x67: {  	_ =	shalt  }
0x68: {  	_ =	shalt  }
0x69: {  	_ =	shalt  }
0x6a: {  	_ =	shalt  }
0x6b: {  	_ =	shalt  }
0x6c: {  	_ =	shalt  }
0x6d: {  	_ =	shalt  }
0x6e: {  	_ =	shalt  }
0x6f: {  	_ =	shalt  }
0x70: {  	_ =	shalt  }
0x71: {  	_ =	shalt  }
0x72: {  	_ =	shalt  }
0x73: {  	_ =	shalt  }
0x74: {  	_ =	shalt  }
0x75: {  	_ =	shalt  }
0x76: {  	_ =	shalt  }
0x77: {  	_ =	shalt  }
0x78: {  	_ =	shalt  }
0x79: {  	_ =	shalt  }
0x7a: {  	_ =	shalt  }
0x7b: {  	_ =	shalt  }
0x7c: {  	_ =	shalt  }
0x7d: {  	_ =	shalt  }
0x7e: {  	_ =	shalt  }
0x7f: {  	_ =	shalt  }
0x80: {  	_ =	shalt  }
0x81: {  	_ =	shalt  }
0x82: {  	_ =	shalt  }
0x83: {  	_ =	shalt  }
0x84: {  	_ =	shalt  }
0x85: {  	_ =	shalt  }
0x86: {  	_ =	shalt  }
0x87: {  	_ =	shalt  }
.Lfunc_end0:
.L_simem_size_0:
called_computation_lowered:
.L_overlay_start_0:
0x88: {  	s2 =	sld [smem:$0x3FD9]  }
0x89: {  	s3 =	sld [smem:$0x3FFE];
	_ =	sdelay $0x1  }
0x8a: {  	s1 =	srdreg.scid  }
0x8b: {  	s0 =	sand.u32 $0x1, s1  }
0x8c: {  	s17 =	sshll.u32 s0, $0xA;
	s2 =	sadd.s32 s3, s2  }
0x8d: {  	s2 =	sadd.s32 s2, s17  }
0x8e: {  	[smem:$0x3FC6] =	sst s2  }
0x8f: {  	_ = 	snop  }
0x90: {  	s2 =	sld [smem:$0x3FC8]  }
0x91: {  	s18 =	sld [smem:$0x3FD0];
	(tm) =	ssettm $0x1  }
0x92: {  	s4 =	sld [smem:$0x3FFB];
	_ =	sdelay $0x3  }
0x93: {  	_ =	strace s4  }
0x94: {  	s4 =	sld [smem:$0x3FFC];
	_ =	sdelay $0x3  }
0x95: {  	_ =	strace s4  }
0x96: {  	s4 =	sld [smem:$0x3FFD];
	_ =	sdelay $0x3  }
0x97: {  	_ =	strace s4  }
0x98: {  	_ =	strace $0x8FFFFFFF  }
0x99: {  	s19 =	sld [smem:$0x3FDB];
	_ =	sdelay $0x1  }
0x9a: {  	s5 =	simm.s32 $_scs_section_size  }
0x9b: {  	s6 =	simm.s32 $_size__tile_overlayer_lowered;
	s7 =	simm.s32 $_tile_overlayer_lowered  }
0x9c: {  	s22 =	simm.s32 $0x1BFF;
	s21 =	sshll.u32 s7, $0x1;
	s4 =	sadd.s32 s5, s19  }
0x9d: {  	s8 =	simm.s32 $0x0;
	s20 =	sshll.u32 s6, $0x1;
	s6 =	sadd.s32 s21, s4  }
0x9e: {  	[timem:s8], [sflag:s22] =	dma.local [hbm:s6], s20  }
0x9f: {  	_ =	swait.ge [sflag:s22], s20  }
0xa0: {  	s5 =	ssub.s32 $0x0, s20;
	[sflag:s22] =	ssyncset.done $0x0  }
0xa1: {  	[sflag:s22] =	ssyncadd.s32 s5;
	_ =	sdelay $0x1  }
0xa2: {  	s23 =	simm.s32 $0x1B8B  }
0xa3: {  	_ =	swait.ge [sflag:s23], $0x1  }
0xa4: {  	[sflag:s23] =	ssyncset.done $0x0  }
0xa5: {  	s25 =	simm.s32 $0x1B8E;
	s24 =	sld [smem:$0x3FFE];
	[sflag:s23] =	ssyncadd.s32 $0xFFFFFFFF  }
0xa6: {  	s26 =	simm.s32 $execute0_lowered;
	[smem:$0x3FD2] =	sst s25  }
0xa7: {  	s6 =	sshll.u32 s26, $0x1;
	_ =	strace $0x80000046;
	[dreg:$0x1] =	wrdreg $0xFFFFFFFF  }
0xa8: {  	s28 =	simm.s32 $_size_execute0_lowered;
	s4 =	sadd.s32 s4, s6;
	[dreg:$0x0] =	wrdreg $0x0  }
0xa9: {  	s6 =	sshll.u32 s28, $0x1;
	[dreg:$0x2] =	wrdreg s4  }
0xaa: {  	[dreg:$0x3] =	wrdreg s6  }
0xab: {  	[dreg:$0x4] =	wrdreg $0xC0  }
0xac: {  	_ =	task [dreg:s8], $0x5FFFF  }
0xad: {  	[dreg:$0x1] =	wrdreg $0xFFFFFFFF  }
0xae: {  	[dreg:$0x0] =	wrdreg $0x60  }
0xaf: {  	[dreg:$0x2] =	wrdreg s24  }
0xb0: {  	[dreg:$0x3] =	wrdreg s2  }
0xb1: {  	[dreg:$0x4] =	wrdreg s18  }
0xb2: {  	[dreg:$0x5] =	wrdreg $0x9  }
0xb3: {  	_ =	task.clear_ibuf [dreg:s8], $0x6FFFF;
	_ =	strace $0x90000046  }
0xb4: {  	s29 =	simm.s32 $0x9;
	_ =	strace $0x80000048  }
0xb5: {  	_ =	swait.ge [sflag:s29], $0x1  }
0xb6: {  	[sflag:s29] =	ssyncadd.s32 $0xFFFFFFFF  }
0xb7: {  	_ =	strace $0x90000048  }
0xb8: {  	_ =	sfence  }
0xb9: {  	s30 =	sld [smem:$0x0];
	_ =	sdelay $0x2  }
0xba: {  	s31 =	sshll.u32 s1, $0xD;
	s1 =	sshrl.u32 s1, $0x2  }
0xbb: {  	s3 =	sand.u32 $0x4000, s31;
	s1 =	sadd.s32 s1, s30  }
0xbc: {  	s0 =	sor.u32 s3, s0;
	s1 =	sshll.u32 s1, $0x11  }
0xbd: {  	s0 =	sor.u32 s1, s0  }
0xbe: {  	s0 =	sadd.s32 $0x8F2B, s0  }
0xbf: {  	[sflag:s0] =	ssyncadd.remote.s32 $0x1  }
0xc0: {  	_ =	sfence.sel $0xFFFF  }
0xc1: {  	[dreg:$0x0] =	wrdreg $0xFFFFFFFF;
	(pc) =	sbr.abs _section_cstart, $3  }
0xc2: {  	[dreg:$0x1] =	wrdreg $0xFFFFFFFF  }
0xc3: {  	_ =	task.clear_ibuf [dreg:s8], $0x2FFFF;
	_ =	strace $0x9FFFFFFF  }
0xc4: {  	(tm) =	ssettm $0x7FFFFFFF  }
0xc5: {  	_ =	shalt  }
tec
execute0_lowered:
.L_overlay_start_1:
0x0: {  	(tag) =	ssettag $0x1  }
0x1: {  	s0 =	rddreg [dreg:$0x0];
	s4 =	stileid.u32  }
0x2: {  	s1 =	srdreg.scid;
	s2 =	rddreg [dreg:$0x1]  }
0x3: {  	s6 =	rddreg [dreg:$0x2];
	s28 =	simm.s32 $0x4;
	s3 =	smul.u32 $0xC0, s4  }
0x4: {  	s29 =	simm.s32 $0x0;
	s1 =	sand.u32 $0x1, s1;
	s4 =	smul.u32 $0xD0, s4  }
0x5: {  	p0 =	seq.s32 s1, $0x0;
	s1 =	ssub.s32 $0x2, s1;
	s16 =	sadd.s32 $0xD00, s3  }
0x6: {  	s3 =	simm.s32 $0x0;
	s5 =	sshrl.u32 s1, $0x1;
	s16 =	smov.u32 @p0 s4  }
0x7: {  	[smem:$0x7FF] =	sst s3;
	s4 =	simm.s32 $0x68;
	s1 =	ssub.s32 s1, s5  }
0x8: {  	s17 =	smin.u32 s16, $0x1830;
	_ =	strace $0x80000047;
	s4 =	simm.s32 @!p0 $0x60  }
0x9: {  	s1 =	smax.u32 s1, $0x1;
	s22 =	sshll.u32 s16, $0xB;
	s24 =	sshll.u32 s16, $0x9  }
0xa: {  	s30 =	sshll.u32 s16, $0x7;
	s13 =	sshll.u32 s17, $0x4;
	s15 =	ssub.s32 s16, s17  }
0xb: {  	[dreg:$0x8] =	wrdreg s1;
	s11 =	sadd.s32 s6, s22;
	s23 =	sshll.u32 s4, $0xC  }
0xc: {  	s25 =	sshll.u32 s17, $0x9;
	s31 =	sshll.u32 s17, $0x7;
	s22 =	simm.s32 $0xE800  }
0xd: {  	s0 =	sadd.s32 s13, s0;
	s7 =	sshll.u32 s15, $0x9;
	s19 =	sor.u32 $0x2, s15  }
0xe: {  	s21 =	sor.u32 $0x4, s15;
	s1 =	ssub.s32 s24, s25;
	s15 =	sor.u32 $0x8, s15  }
0xf: {  	s24 =	simm.s32 $0x1;
	s25 =	simm.s32 $0x3;
	s0 =	sadd.s32 $0x400, s0  }
0x10: {  	s14 =	sshra.s32 s7, $0x2;
	s20 =	sshll.u32 s19, $0x9;
	[dreg:$0x6] =	wrdreg s0  }
0x11: {  	s12 =	sshll.u32 s21, $0x9;
	s26 =	sor.u32 $0x1000, s1;
	[dreg:$0x5] =	wrdreg s14  }
0x12: {  	s18 =	sadd.s32 $0x80, s14;
	s0 =	sshll.u32 s19, $0x7;
	s9 =	sshra.s32 s20, $0x2  }
0x13: {  	s12 =	sshra.s32 s12, $0x2;
	s14 =	sadd.s32 $0x1000, s11;
	s6 =	sshra.s32 s26, $0x2  }
0x14: {  	s19 =	simm.s32 $0x80;
	s20 =	simm.s32 $0x6800;
	s26 =	simm.s32 $0x2  }
0x15: {  	[dreg:$0x7] =	wrdreg s18;
	s10 =	sor.u32 $0x80, s0;
	s0 =	sshll.u32 s21, $0x7  }
0x16: {  	s18 =	simm.s32 $0x5;
	s13 =	sor.u32 $0x80, s0;
	s0 =	sadd.s32 $0xFFFFC000, s23  }
0x17: {  	s21 =	simm.s32 $0xA800;
	[dreg:$0x4] =	wrdreg s0;
	s0 =	ssub.s32 s30, s31  }
.LBB2_1:
0x18: {  	s1 =	rddreg [dreg:$0x6]  }
0x19: {  	[tilespmem:s3], [sflag:$0x5] =	stream.linear.gather [hbm4b:s1+s3], $0x6800, $0x38;
	[tilespmem:$0x16800] =	vst v63  }
0x1a: {  	_ =	swait.ge [sflag:s18], $0x6800  }
0x1b: {  	[sflag:s18] =	ssyncset.done $0x0  }
0x1c: {  	s16 =	rddreg [dreg:$0x5];
	[sflag:s18] =	ssyncadd.s32 $0xFFFF9800  }
0x1d: {  	[tilespmem:s20], [sflag:$0x1] =	stream.indirect.gather [hbm4b:s2+s19], $0x80, s16, s19, $0xb8;
	[tilespmem:$0x16800] =	vst v63  }
0x1e: {  	s17 =	rddreg [dreg:$0x7]  }
0x1f: {  	[tilespmem:s21], [sflag:$0x1] =	stream.indirect.gather [hbm4b:s2+s19], $0x80, s17, s19, $0xb8;
	[tilespmem:$0x16800] =	vst v63  }
0x20: {  	_ = 	snop  }
0x21: {  	[tilespmem:s22], [sflag:$0x2] =	stream.indirect.gather [hbm4b:s2+s19], $0x80, s9, s19, $0xb8;
	[tilespmem:$0x16800] =	vst v63  }
0x22: {  	s23 =	simm.s32 $0x12800  }
0x23: {  	[tilespmem:s23], [sflag:$0x2] =	stream.indirect.gather [hbm4b:s2+s19], $0x80, s10, s19, $0xb8;
	[tilespmem:$0x16800] =	vst v63  }
0x24: {  	_ =	swait.ge [sflag:s24], $0x4000  }
0x25: {  	[sflag:s24] =	ssyncset.done $0x0  }
0x26: {  	[sflag:s24] =	ssyncadd.s32 $0xFFFFC000  }
0x27: {  	_ =	swait.ge [sflag:s24], $0x4000  }
0x28: {  	[sflag:s24] =	ssyncset.done $0x0  }
0x29: {  	[sflag:s24] =	ssyncadd.s32 $0xFFFFC000  }
0x2a: {  	[hbm4b:s11+s3] =	stream.linear.scatter [tilespmem:s20], [sflag:$0x3], $0x8000, $0x38;
	[tilespmem:$0x16800] =	vst v63  }
0x2b: {  	_ =	swait.ge [sflag:s25], $0x8000  }
0x2c: {  	[sflag:s25] =	ssyncset.done $0x0  }
0x2d: {  	[sflag:s25] =	ssyncadd.s32 $0xFFFF8000  }
0x2e: {  	[tilespmem:s20], [sflag:$0x1] =	stream.indirect.gather [hbm4b:s2+s19], $0x80, s12, s19, $0xb8;
	[tilespmem:$0x16800] =	vst v63  }
0x2f: {  	_ = 	snop  }
0x30: {  	[tilespmem:s21], [sflag:$0x1] =	stream.indirect.gather [hbm4b:s2+s19], $0x80, s13, s19, $0xb8;
	[tilespmem:$0x16800] =	vst v63  }
0x31: {  	_ =	swait.ge [sflag:s26], $0x4000  }
0x32: {  	[sflag:s26] =	ssyncset.done $0x0  }
0x33: {  	[sflag:s26] =	ssyncadd.s32 $0xFFFFC000  }
0x34: {  	s31 =	simm.s32 $0x4;
	_ =	swait.ge [sflag:s26], $0x4000  }
0x35: {  	s30 =	smov.u32 s15;
	s1 =	simm.s32 $0x0;
	[sflag:s26] =	ssyncset.done $0x0  }
0x36: {  	s16 =	smov.u32 s6;
	s17 =	smov.u32 s0;
	[sflag:s26] =	ssyncadd.s32 $0xFFFFC000  }
0x37: {  	[hbm4b:s14+s3] =	stream.linear.scatter [tilespmem:s22], [sflag:$0x4], $0x8000, $0x38;
	[tilespmem:$0x16800] =	vst v63  }
.LBB2_2:
0x38: {  	_ =	swait.ge [sflag:s28], $0x8000  }
0x39: {  	s7 =	sadd.s32 $0xFFFFFFFF, s31;
	[sflag:s28] =	ssyncset.done $0x0  }
0x3a: {  	s23 =	smov.u32 s16;
	p0 =	sge.u32 s7, s4;
	[sflag:s28] =	ssyncadd.s32 $0xFFFF8000  }
0x3b: {  	s7 =	sadd.s32 @!p0 $0xFFFFFF00, s16;
	s16 =	simm.s32 @!p0 $0x80;
	s8 =	simm.s32 @!p0 $0xE800  }
0x3c: {  	[tilespmem:s8], [sflag:$0x2] =	stream.indirect.gather @!p0 [hbm4b:s2+s16], $0x80, s7, s16, $0xb8;
	[tilespmem:$0x16800] =	vst v63  }
0x3d: {  	s7 =	sadd.s32 @!p0 $0x300, s17  }
0x3e: {  	s8 =	simm.s32 @!p0 $0x12800;
	s7 =	sor.u32 @!p0 $0x80, s7  }
0x3f: {  	[tilespmem:s8], [sflag:$0x2] =	stream.indirect.gather @!p0 [hbm4b:s2+s16], $0x80, s7, s16, $0xb8;
	[tilespmem:$0x16800] =	vst v63  }
0x40: {  	_ =	swait.ge [sflag:s24], $0x4000  }
0x41: {  	[sflag:s24] =	ssyncset.done $0x0  }
0x42: {  	[sflag:s24] =	ssyncadd.s32 $0xFFFFC000  }
0x43: {  	_ =	swait.ge [sflag:s24], $0x4000  }
0x44: {  	s7 =	sadd.s32 s1, s11;
	[sflag:s24] =	ssyncset.done $0x0  }
0x45: {  	s5 =	sadd.s32 $0x2000, s7;
	[sflag:s24] =	ssyncadd.s32 $0xFFFFC000  }
0x46: {  	[hbm4b:s5+s3] =	stream.linear.scatter [tilespmem:s20], [sflag:$0x3], $0x8000, $0x38;
	[tilespmem:$0x16800] =	vst v63  }
0x47: {  	_ =	swait.ge [sflag:s25], $0x8000  }
0x48: {  	p0 =	sge.u32 s31, s4;
	[sflag:s25] =	ssyncset.done $0x0  }
0x49: {  	s8 =	simm.s32 @!p0 $0x80;
	s16 =	simm.s32 @!p0 $0x6800;
	[sflag:s25] =	ssyncadd.s32 $0xFFFF8000  }
0x4a: {  	[tilespmem:s16], [sflag:$0x1] =	stream.indirect.gather @!p0 [hbm4b:s2+s8], $0x80, s23, s8, $0xb8;
	[tilespmem:$0x16800] =	vst v63  }
0x4b: {  	s16 =	sadd.s32 @!p0 $0x400, s17  }
0x4c: {  	s5 =	simm.s32 @!p0 $0xA800;
	s16 =	sor.u32 @!p0 $0x80, s16  }
0x4d: {  	[tilespmem:s5], [sflag:$0x1] =	stream.indirect.gather @!p0 [hbm4b:s2+s8], $0x80, s16, s8, $0xb8;
	[tilespmem:$0x16800] =	vst v63  }
0x4e: {  	_ =	swait.ge [sflag:s26], $0x4000  }
0x4f: {  	[sflag:s26] =	ssyncset.done $0x0  }
0x50: {  	[sflag:s26] =	ssyncadd.s32 $0xFFFFC000  }
0x51: {  	_ =	swait.ge [sflag:s26], $0x4000  }
0x52: {  	s1 =	sadd.s32 $0x2000, s1;
	s16 =	rddreg [dreg:$0x4]  }
0x53: {  	p0 =	sne.s32 s16, s1  }
.Ltmp0:
0x54: {  	_ = 	snop;
	(pc) =	sbr.rel @p0 .LBB2_2-.Ltmp0, $4  }
0x55: {  	s30 =	sadd.s32 $0x4, s30  }
0x56: {  	s31 =	sadd.s32 $0x2, s31;
	s17 =	sadd.s32 $0x200, s17;
	[sflag:s26] =	ssyncset.done $0x0  }
0x57: {  	s8 =	sadd.s32 $0x3000, s7;
	[sflag:s26] =	ssyncadd.s32 $0xFFFFC000;
	s16 =	sadd.s32 $0x200, s23  }
0x58: {  	[hbm4b:s8+s3] =	stream.linear.scatter [tilespmem:s22], [sflag:$0x4], $0x8000, $0x38;
	[tilespmem:$0x16800] =	vst v63  }
0x59: {  	_ =	swait.ge [sflag:s28], $0x8000;
	s5 =	sadd.s32 $0xFFFFFFFF, s31  }
0x5a: {  	[sflag:s28] =	ssyncset.done $0x0;
	p0 =	sge.u32 s5, s4  }
0x5b: {  	[sflag:s28] =	ssyncadd.s32 $0xFFFF8000;
	s5 =	sshll.u32 @!p0 s30, $0x7  }
0x5c: {  	s7 =	sadd.s32 @!p0 $0x100, s23;
	s8 =	simm.s32 @!p0 $0x80;
	s17 =	simm.s32 @!p0 $0xE800  }
0x5d: {  	[tilespmem:s17], [sflag:$0x2] =	stream.indirect.gather @!p0 [hbm4b:s2+s8], $0x80, s7, s8, $0xb8;
	[tilespmem:$0x16800] =	vst v63  }
0x5e: {  	s5 =	sadd.s32 @!p0 $0xFFFFFF00, s5  }
0x5f: {  	s7 =	simm.s32 @!p0 $0x12800;
	s5 =	sor.u32 @!p0 $0x80, s5  }
0x60: {  	[tilespmem:s7], [sflag:$0x2] =	stream.indirect.gather @!p0 [hbm4b:s2+s8], $0x80, s5, s8, $0xb8;
	[tilespmem:$0x16800] =	vst v63  }
0x61: {  	_ =	swait.ge [sflag:s24], $0x4000  }
0x62: {  	[sflag:s24] =	ssyncset.done $0x0  }
0x63: {  	[sflag:s24] =	ssyncadd.s32 $0xFFFFC000  }
0x64: {  	_ =	swait.ge [sflag:s24], $0x4000  }
0x65: {  	s1 =	sadd.s32 s1, s11;
	[sflag:s24] =	ssyncset.done $0x0  }
0x66: {  	s23 =	sadd.s32 $0x2000, s1;
	[sflag:s24] =	ssyncadd.s32 $0xFFFFC000  }
0x67: {  	[hbm4b:s23+s3] =	stream.linear.scatter [tilespmem:s20], [sflag:$0x3], $0x8000, $0x38;
	[tilespmem:$0x16800] =	vst v63  }
0x68: {  	_ =	swait.ge [sflag:s25], $0x8000  }
0x69: {  	p0 =	sge.u32 s31, s4;
	[sflag:s25] =	ssyncset.done $0x0  }
0x6a: {  	s5 =	simm.s32 @!p0 $0x80;
	s7 =	simm.s32 @!p0 $0x6800;
	[sflag:s25] =	ssyncadd.s32 $0xFFFF8000  }
0x6b: {  	[tilespmem:s7], [sflag:$0x1] =	stream.indirect.gather @!p0 [hbm4b:s2+s5], $0x80, s16, s5, $0xb8;
	[tilespmem:$0x16800] =	vst v63  }
0x6c: {  	s7 =	sshll.u32 @!p0 s30, $0x7  }
0x6d: {  	s8 =	simm.s32 @!p0 $0xA800;
	s7 =	sor.u32 @!p0 $0x80, s7  }
0x6e: {  	[tilespmem:s8], [sflag:$0x1] =	stream.indirect.gather @!p0 [hbm4b:s2+s5], $0x80, s7, s5, $0xb8;
	[tilespmem:$0x16800] =	vst v63  }
0x6f: {  	_ =	swait.ge [sflag:s26], $0x4000  }
0x70: {  	[sflag:s26] =	ssyncset.done $0x0  }
0x71: {  	[sflag:s26] =	ssyncadd.s32 $0xFFFFC000  }
0x72: {  	_ =	swait.ge [sflag:s26], $0x4000  }
0x73: {  	[sflag:s26] =	ssyncset.done $0x0  }
0x74: {  	s1 =	sadd.s32 $0x3000, s1;
	[sflag:s26] =	ssyncadd.s32 $0xFFFFC000  }
0x75: {  	[hbm4b:s1+s3] =	stream.linear.scatter [tilespmem:s22], [sflag:$0x4], $0x8000, $0x38;
	[tilespmem:$0x16800] =	vst v63  }
0x76: {  	_ =	swait.ge [sflag:s28], $0x8000  }
0x77: {  	s29 =	sadd.s32 $0x1, s29;
	s31 =	rddreg [dreg:$0x8]  }
0x78: {  	p0 =	sne.s32 s29, s31  }
.Ltmp1:
0x79: {  	_ = 	snop;
	(pc) =	sbr.rel @p0 .LBB2_1-.Ltmp1, $3  }
0x7a: {  	_ =	sdelay $0x1  }
0x7b: {  	[sflag:s28] =	ssyncset.done $0x0  }
0x7c: {  	[sflag:s28] =	ssyncadd.s32 $0xFFFF8000  }
0x7d: {  	_ =	sfence.sel $0x180000  }
0x7e: {  	[bflag:$0x0] =	sbarrier.arrive $0xFFFF  }
0x7f: {  	_ =	strace $0x90000047  }
0x80: {  	s0 =	stileid.u32;
	[bflag:$0x2] =	sbarrier.arrive $0xFFFF  }
0x81: {  	p0 =	sne.s32 s0, $0x0;
	s0 =	rddreg [dreg:$0x3]  }
0x82: {  	s0 =	sadd.s32 @!p0 $0x100000, s0  }
0x83: {  	[sflag:s0] =	ssyncadd.tile.s32 @!p0 $0x1;
	_ =	shalt  }
.Lfunc_end2:
_tile_overlayer_lowered:
.L_overlay_start_2:
0x84: {  	(tag) =	ssettag $0x2  }
0x85: {  	s0 =	rddreg [dreg:$0x0];
	s2 =	stileid.u32  }
0x86: {  	s1 =	rddreg [dreg:$0x1];
	p0 =	sne.s32 s2, $0x0  }
0x87: {  	s3 =	rddreg [dreg:$0x2];
	[bflag:$0x3] =	sbarrier.arrive $0xFFFF;
	s2 =	simm.s32 @!p0 $0x1C05  }
0x88: {  	[timem:s3], [sflag:s2] =	dma.local @!p0 [hbm:s0], s1  }
0x89: {  	s0 =	simm.s32 @!p0 $0x5  }
0x8a: {  	_ =	swait.ge @!p0 [sflag:s0], s1  }
0x8b: {  	s1 =	ssub.s32 @!p0 $0x0, s1;
	[sflag:s0] =	ssyncset.done @!p0 $0x0  }
0x8c: {  	[sflag:s0] =	ssyncadd.s32 @!p0 s1  }
0x8d: {  	[bflag:$0x3] =	sbarrier.arrive $0xFFFF  }
0x8e: {  	_ =	shalt  }

</sc_bundles>
